<compile_context>
chip_gen: v7x
topology: tpu7x:2x2x1
jax: 0.10.2.dev20260603
libtpu: 0.0.44.dev20260713+nightly
codegen_flags: <defaults>
</compile_context>

<pallas_src>
import functools

import jax
import jax.numpy as jnp
from jax import lax
from jax.experimental import pallas as pl
from jax.experimental.pallas import tpu as pltpu
from jax.experimental.pallas import tpu_sc as plsc

B = 16384
L = 200
D = 64
NC = 2
NS = 16
NW = NC * NS
RPW = B // NW
BLK = 16
NBLK = RPW // BLK


def _sc_body(ids_hbm, table_hbm, out_hbm, ibuf, gbufA, gbufB, gbufC, gbufD,
             acc, semA, semB, semC, semD, isem):
    c = lax.axis_index("c")
    s = lax.axis_index("s")
    wid = s * NC + c
    base = wid * RPW

    def fire(h, t, dst, sem):
        pltpu.async_copy(table_hbm.at[ibuf.at[h, t]], dst, sem)

    def drain(dst, sem):
        pltpu.make_async_copy(table_hbm.at[ibuf.at[0, 0]], dst, sem).wait()

    def accum2(bx, by):
        @pl.loop(0, L)
        def _acc(p):
            for k2 in range(D // 16):
                sl = pl.ds(k2 * 16, 16)
                acc[p, sl] = acc[p, sl] + bx[p, sl] + by[p, sl]

    pltpu.sync_copy(ids_hbm.at[pl.ds(base, BLK)], ibuf.at[0])

    @pl.loop(0, L)
    def _zero(p):
        for k2 in range(D // 16):
            acc[p, pl.ds(k2 * 16, 16)] = jnp.zeros((16,), jnp.float32)

    fire(0, 0, gbufA, semA)
    fire(0, 1, gbufB, semB)
    fire(0, 2, gbufC, semC)
    fire(0, 3, gbufD, semD)

    @pl.loop(0, NBLK)
    def _blk(kb):
        h = lax.rem(kb, 2)

        drain(gbufA, semA)
        drain(gbufB, semB)
        accum2(gbufA, gbufB)
        fire(h, 4, gbufA, semA)
        fire(h, 5, gbufB, semB)

        @pl.when(kb < NBLK - 1)
        def _pf():
            pltpu.async_copy(ids_hbm.at[pl.ds(base + (kb + 1) * BLK, BLK)],
                             ibuf.at[1 - h], isem)

        for j in range(1, 6):
            if j % 2 == 1:
                drain(gbufC, semC)
                drain(gbufD, semD)
                accum2(gbufC, gbufD)
                fire(h, 2 * j + 4, gbufC, semC)
                fire(h, 2 * j + 5, gbufD, semD)
            else:
                drain(gbufA, semA)
                drain(gbufB, semB)
                accum2(gbufA, gbufB)
                fire(h, 2 * j + 4, gbufA, semA)
                fire(h, 2 * j + 5, gbufB, semB)

        drain(gbufA, semA)
        drain(gbufB, semB)
        accum2(gbufA, gbufB)

        @pl.when(kb < NBLK - 1)
        def _nx0():
            pltpu.make_async_copy(
                ids_hbm.at[pl.ds(base, BLK)], ibuf.at[0], isem).wait()
            fire(1 - h, 0, gbufA, semA)
            fire(1 - h, 1, gbufB, semB)

        drain(gbufC, semC)
        drain(gbufD, semD)
        accum2(gbufC, gbufD)

        @pl.when(kb < NBLK - 1)
        def _nx1():
            fire(1 - h, 2, gbufC, semC)
            fire(1 - h, 3, gbufD, semD)

    pltpu.sync_copy(acc, out_hbm.at[wid])


_sc_embed = functools.partial(
    pl.kernel,
    out_type=jax.ShapeDtypeStruct((NW, L, D), jnp.float32),
    mesh=plsc.VectorSubcoreMesh(
        core_axis_name="c", subcore_axis_name="s",
        num_cores=NC, num_subcores=NS),
    compiler_params=pltpu.CompilerParams(use_tc_tiling_on_sc=False),
    scratch_types=[
        pltpu.VMEM((2, BLK, L), jnp.int32),
        pltpu.VMEM((L, D), jnp.float32),
        pltpu.VMEM((L, D), jnp.float32),
        pltpu.VMEM((L, D), jnp.float32),
        pltpu.VMEM((L, D), jnp.float32),
        pltpu.VMEM((L, D), jnp.float32),
        pltpu.SemaphoreType.DMA,
        pltpu.SemaphoreType.DMA,
        pltpu.SemaphoreType.DMA,
        pltpu.SemaphoreType.DMA,
        pltpu.SemaphoreType.DMA,
    ],
)(_sc_body)


def _tc_combine(p_ref, o_ref):
    o_ref[...] = jnp.sum(p_ref[...], axis=0) * jnp.float32(1.0 / B)


def kernel(token_ids, embedding_table):
    partial = _sc_embed(token_ids, embedding_table)
    return pl.pallas_call(
        _tc_combine,
        out_shape=jax.ShapeDtypeStruct((L, D), jnp.float32),
    )(partial)

# --- scband reference (transcript-rebuilt; emitter-appended) ---
"""Pipeline reference for scband-cbowembedder-34411277975603 (READ-ONLY COPY).

The authoritative reference and input builder live on the scoring server;
editing this copy changes nothing except your own understanding.
"""

import jax, jax.numpy as jnp
import numpy as np

VOCAB_SIZE = 1000000
EMBED_DIM = 64
BATCH = 16384
HIST_LEN = 200


def setup_inputs(seed: int = 0) -> dict:
    key = jax.random.key(seed)
    k1, k2 = jax.random.split(key)
    token_ids = jax.random.randint(k1, (BATCH, HIST_LEN), 0, VOCAB_SIZE, dtype=jnp.int32)
    embedding_table = jax.random.normal(k2, (VOCAB_SIZE, EMBED_DIM), dtype=jnp.float32) * 0.02
    return {"token_ids": token_ids, "embedding_table": embedding_table}


def reference(token_ids, embedding_table):
    # CBOWEmbedder.embed_sentence: embs = self.model.embeddings(token_ids); mean over dim 0
    embs = jnp.take(embedding_table, token_ids, axis=0)  # [B, L, D] gather
    return jnp.mean(embs, axis=0)  # mean over dim 0 -> [L, D]

if __name__ == "__main__":
    import jax
    _d = setup_inputs()
    print(jax.jit(kernel)(*tuple(_d.values())))

</pallas_src>

<mosaic_0001>
#map = affine_map<(d0, d1) -> (0, 0)>
#map1 = affine_map<(d0, d1) -> (0, 0, 0)>
module attributes {stable_mosaic.version = 14 : i64} {
  func.func @_sc_body(%arg0: i32, %arg1: i32, %arg2: memref<16384x200xi32, #tpu.memory_space<hbm>>, %arg3: memref<1000000x64xf32, #tpu.memory_space<hbm>>, %arg4: memref<32x200x64xf32, #tpu.memory_space<hbm>>, %arg5: memref<2x16x200xi32, #tpu.memory_space<vmem>>, %arg6: memref<200x64xf32, #tpu.memory_space<vmem>>, %arg7: memref<200x64xf32, #tpu.memory_space<vmem>>, %arg8: memref<200x64xf32, #tpu.memory_space<vmem>>, %arg9: memref<200x64xf32, #tpu.memory_space<vmem>>, %arg10: memref<200x64xf32, #tpu.memory_space<vmem>>, %arg11: memref<!tpu.dma_semaphore, #tpu.memory_space<semaphore_mem>>, %arg12: memref<!tpu.dma_semaphore, #tpu.memory_space<semaphore_mem>>, %arg13: memref<!tpu.dma_semaphore, #tpu.memory_space<semaphore_mem>>, %arg14: memref<!tpu.dma_semaphore, #tpu.memory_space<semaphore_mem>>, %arg15: memref<!tpu.dma_semaphore, #tpu.memory_space<semaphore_mem>>) attributes {dimension_semantics = [#tpu.dimension_semantics<core_parallel>, #tpu.dimension_semantics<subcore_parallel>], iteration_bounds = array<i64: 2, 16>, scalar_prefetch = 0 : i64, scratch_operands = 11 : i64, tpu.core_type = #tpu.core_type<sc_vector_subcore>, window_params = [{transform_indices = #map}, {transform_indices = #map}, {transform_indices = #map1}]} {
    %mul3A = arith.constant 2 : i32
    %mul3A_0 = arith.muli %arg1, %mul3A : i32
    %add3A = arith.addi %mul3A_0, %arg0 : i32
    %mul3A_1 = arith.constant 512 : i32
    %mul3A_2 = arith.muli %add3A, %mul3A_1 : i32
    %run_scoped3A = arith.constant 0 : i32
    "tpu.region"() ({
      %run_scoped3A_43 = tpu.sem_alloc : memref<!tpu.dma_semaphore, #tpu.memory_space<semaphore_mem>>
      %dma_start3A_44 = arith.constant 0 : i32
      %dma_start3A_45 = arith.constant 0 : i32
      %dma_start3A_46 = tpu.memref_slice %arg5[%run_scoped3A, %dma_start3A_44, %dma_start3A_45] : memref<2x16x200xi32, #tpu.memory_space<vmem>> -> memref<1x16x200xi32, #tpu.memory_space<vmem>>
      %dma_start3A_47 = tpu.memref_squeeze %dma_start3A_46 : memref<1x16x200xi32, #tpu.memory_space<vmem>> -> memref<16x200xi32, #tpu.memory_space<vmem>>
      %dma_start3A_48 = arith.constant 0 : i32
      %dma_start3A_49 = tpu.memref_slice %arg2[%mul3A_2, %dma_start3A_48] : memref<16384x200xi32, #tpu.memory_space<hbm>> -> memref<16x200xi32, #tpu.memory_space<hbm>>
      %dma_start3A_50 = arith.constant 0 : i32
      %dma_start3A_51 = arith.constant 0 : i32
      %dma_start3A_52 = tpu.memref_slice %arg5[%run_scoped3A, %dma_start3A_50, %dma_start3A_51] : memref<2x16x200xi32, #tpu.memory_space<vmem>> -> memref<1x16x200xi32, #tpu.memory_space<vmem>>
      %dma_start3A_53 = tpu.memref_squeeze %dma_start3A_52 : memref<1x16x200xi32, #tpu.memory_space<vmem>> -> memref<16x200xi32, #tpu.memory_space<vmem>>
      %dma_start3A_54 = arith.constant 0 : i32
      %dma_start3A_55 = tpu.memref_slice %arg2[%mul3A_2, %dma_start3A_54] : memref<16384x200xi32, #tpu.memory_space<hbm>> -> memref<16x200xi32, #tpu.memory_space<hbm>>
      tpu.enqueue_dma source(%dma_start3A_55 : memref<16x200xi32, #tpu.memory_space<hbm>>) target(%dma_start3A_53 : memref<16x200xi32, #tpu.memory_space<vmem>>) target_semaphore(%run_scoped3A_43 : memref<!tpu.dma_semaphore, #tpu.memory_space<semaphore_mem>>)
      %dma_wait3A = arith.constant 0 : i32
      %dma_wait3A_56 = arith.constant 0 : i32
      %dma_wait3A_57 = tpu.memref_slice %arg5[%run_scoped3A, %dma_wait3A, %dma_wait3A_56] : memref<2x16x200xi32, #tpu.memory_space<vmem>> -> memref<1x16x200xi32, #tpu.memory_space<vmem>>
      %dma_wait3A_58 = tpu.memref_squeeze %dma_wait3A_57 : memref<1x16x200xi32, #tpu.memory_space<vmem>> -> memref<16x200xi32, #tpu.memory_space<vmem>>
      %dma_wait3A_59 = arith.constant 0 : i32
      %dma_wait3A_60 = tpu.memref_slice %arg2[%mul3A_2, %dma_wait3A_59] : memref<16384x200xi32, #tpu.memory_space<hbm>> -> memref<16x200xi32, #tpu.memory_space<hbm>>
      %dma_wait3A_61 = arith.constant 0 : i32
      %dma_wait3A_62 = arith.constant 0 : i32
      %dma_wait3A_63 = tpu.memref_slice %arg5[%run_scoped3A, %dma_wait3A_61, %dma_wait3A_62] : memref<2x16x200xi32, #tpu.memory_space<vmem>> -> memref<1x16x200xi32, #tpu.memory_space<vmem>>
      %dma_wait3A_64 = tpu.memref_squeeze %dma_wait3A_63 : memref<1x16x200xi32, #tpu.memory_space<vmem>> -> memref<16x200xi32, #tpu.memory_space<vmem>>
      %dma_wait3A_65 = arith.constant 0 : i32
      %dma_wait3A_66 = tpu.memref_slice %arg2[%mul3A_2, %dma_wait3A_65] : memref<16384x200xi32, #tpu.memory_space<hbm>> -> memref<16x200xi32, #tpu.memory_space<hbm>>
      tpu.wait_dma2 semaphore(%run_scoped3A_43 : memref<!tpu.dma_semaphore, #tpu.memory_space<semaphore_mem>>) src(%dma_wait3A_66 : memref<16x200xi32, #tpu.memory_space<hbm>>) dst(%dma_wait3A_64 : memref<16x200xi32, #tpu.memory_space<vmem>>)
      tpu.yield
    }) : () -> ()
    %scan3A = arith.constant 0 : i32
    %scan3A_3 = arith.constant 200 : i32
    %scan3A_4 = arith.addi %scan3A, %scan3A_3 : i32
    %scan3A_5 = arith.constant 1 : i32
    scf.for %scan3A_43 = %scan3A to %scan3A_4 step %scan3A_5  : i32 {
      %mul3A_44 = arith.constant 1 : i32
      %mul3A_45 = arith.muli %scan3A_43, %mul3A_44 : i32
      %add3A_46 = arith.constant 0 : i32
      %add3A_47 = arith.addi %add3A_46, %mul3A_45 : i32
      %broadcast_in_dim3A = arith.constant 0.000000e+00 : f32
      %broadcast_in_dim3A_48 = vector.broadcast %broadcast_in_dim3A : f32 to vector<16xf32>
      %swap3A = arith.index_cast %add3A_47 : i32 to index
      %swap3A_49 = arith.constant 0 : index
      %swap3A_50 = tpu.vector_load %arg10[%swap3A, %swap3A_49] {strides = array<i32>} : memref<200x64xf32, #tpu.memory_space<vmem>>, vector<1x16xf32>,
      %swap3A_51 = vector.shape_cast %swap3A_50 : vector<1x16xf32> to vector<16xf32>
      %swap3A_52 = vector.shape_cast %broadcast_in_dim3A_48 : vector<16xf32> to vector<1x16xf32>
      tpu.vector_store %arg10[%swap3A, %swap3A_49], %swap3A_52 {strides = array<i32>} : memref<200x64xf32, #tpu.memory_space<vmem>>, vector<1x16xf32>,
      %broadcast_in_dim3A_53 = arith.constant 0.000000e+00 : f32
      %broadcast_in_dim3A_54 = vector.broadcast %broadcast_in_dim3A_53 : f32 to vector<16xf32>
      %swap3A_55 = arith.index_cast %add3A_47 : i32 to index
      %swap3A_56 = arith.constant 16 : index
      %swap3A_57 = tpu.vector_load %arg10[%swap3A_55, %swap3A_56] {strides = array<i32>} : memref<200x64xf32, #tpu.memory_space<vmem>>, vector<1x16xf32>,
      %swap3A_58 = vector.shape_cast %swap3A_57 : vector<1x16xf32> to vector<16xf32>
      %swap3A_59 = vector.shape_cast %broadcast_in_dim3A_54 : vector<16xf32> to vector<1x16xf32>
      tpu.vector_store %arg10[%swap3A_55, %swap3A_56], %swap3A_59 {strides = array<i32>} : memref<200x64xf32, #tpu.memory_space<vmem>>, vector<1x16xf32>,
      %broadcast_in_dim3A_60 = arith.constant 0.000000e+00 : f32
      %broadcast_in_dim3A_61 = vector.broadcast %broadcast_in_dim3A_60 : f32 to vector<16xf32>
      %swap3A_62 = arith.index_cast %add3A_47 : i32 to index
      %swap3A_63 = arith.constant 32 : index
      %swap3A_64 = tpu.vector_load %arg10[%swap3A_62, %swap3A_63] {strides = array<i32>} : memref<200x64xf32, #tpu.memory_space<vmem>>, vector<1x16xf32>,
      %swap3A_65 = vector.shape_cast %swap3A_64 : vector<1x16xf32> to vector<16xf32>
      %swap3A_66 = vector.shape_cast %broadcast_in_dim3A_61 : vector<16xf32> to vector<1x16xf32>
      tpu.vector_store %arg10[%swap3A_62, %swap3A_63], %swap3A_66 {strides = array<i32>} : memref<200x64xf32, #tpu.memory_space<vmem>>, vector<1x16xf32>,
      %broadcast_in_dim3A_67 = arith.constant 0.000000e+00 : f32
      %broadcast_in_dim3A_68 = vector.broadcast %broadcast_in_dim3A_67 : f32 to vector<16xf32>
      %swap3A_69 = arith.index_cast %add3A_47 : i32 to index
      %swap3A_70 = arith.constant 48 : index
      %swap3A_71 = tpu.vector_load %arg10[%swap3A_69, %swap3A_70] {strides = array<i32>} : memref<200x64xf32, #tpu.memory_space<vmem>>, vector<1x16xf32>,
      %swap3A_72 = vector.shape_cast %swap3A_71 : vector<1x16xf32> to vector<16xf32>
      %swap3A_73 = vector.shape_cast %broadcast_in_dim3A_68 : vector<16xf32> to vector<1x16xf32>
      tpu.vector_store %arg10[%swap3A_69, %swap3A_70], %swap3A_73 {strides = array<i32>} : memref<200x64xf32, #tpu.memory_space<vmem>>, vector<1x16xf32>,
    }
    %scan3A_6 = arith.constant 200 : i32
    %dma_start3A = arith.constant 0 : i32
    %dma_start3A_7 = arith.constant 0 : i32
    %dma_start3A_8 = arith.constant 0 : i32
    %dma_start3A_9 = tpu.memref_slice %arg5[%dma_start3A, %dma_start3A_7, %dma_start3A_8] : memref<2x16x200xi32, #tpu.memory_space<vmem>> -> memref<1x1x200xi32, #tpu.memory_space<vmem>>
    %dma_start3A_10 = tpu.memref_squeeze %dma_start3A_9 : memref<1x1x200xi32, #tpu.memory_space<vmem>> -> memref<200xi32, #tpu.memory_space<vmem>>
    %dma_start3A_11 = arith.constant 0 : i32
    %dma_start3A_12 = arith.constant 0 : i32
    %dma_start3A_13 = tpu.memref_slice %arg3[%dma_start3A_11, %dma_start3A_12] : memref<1000000x64xf32, #tpu.memory_space<hbm>> -> memref<1000000x64xf32, #tpu.memory_space<hbm>>
    tpu.enqueue_indirect_dma source(%dma_start3A_13 : memref<1000000x64xf32, #tpu.memory_space<hbm>>) target(%arg6 : memref<200x64xf32, #tpu.memory_space<vmem>>) offsets(%dma_start3A_10 : memref<200xi32, #tpu.memory_space<vmem>>) semaphore(%arg11 : memref<!tpu.dma_semaphore, #tpu.memory_space<semaphore_mem>>)
    %dma_start3A_14 = arith.constant 0 : i32
    %dma_start3A_15 = arith.constant 1 : i32
    %dma_start3A_16 = arith.constant 0 : i32
    %dma_start3A_17 = tpu.memref_slice %arg5[%dma_start3A_14, %dma_start3A_15, %dma_start3A_16] : memref<2x16x200xi32, #tpu.memory_space<vmem>> -> memref<1x1x200xi32, #tpu.memory_space<vmem>>
    %dma_start3A_18 = tpu.memref_squeeze %dma_start3A_17 : memref<1x1x200xi32, #tpu.memory_space<vmem>> -> memref<200xi32, #tpu.memory_space<vmem>>
    %dma_start3A_19 = arith.constant 0 : i32
    %dma_start3A_20 = arith.constant 0 : i32
    %dma_start3A_21 = tpu.memref_slice %arg3[%dma_start3A_19, %dma_start3A_20] : memref<1000000x64xf32, #tpu.memory_space<hbm>> -> memref<1000000x64xf32, #tpu.memory_space<hbm>>
    tpu.enqueue_indirect_dma source(%dma_start3A_21 : memref<1000000x64xf32, #tpu.memory_space<hbm>>) target(%arg7 : memref<200x64xf32, #tpu.memory_space<vmem>>) offsets(%dma_start3A_18 : memref<200xi32, #tpu.memory_space<vmem>>) semaphore(%arg12 : memref<!tpu.dma_semaphore, #tpu.memory_space<semaphore_mem>>)
    %dma_start3A_22 = arith.constant 0 : i32
    %dma_start3A_23 = arith.constant 2 : i32
    %dma_start3A_24 = arith.constant 0 : i32
    %dma_start3A_25 = tpu.memref_slice %arg5[%dma_start3A_22, %dma_start3A_23, %dma_start3A_24] : memref<2x16x200xi32, #tpu.memory_space<vmem>> -> memref<1x1x200xi32, #tpu.memory_space<vmem>>
    %dma_start3A_26 = tpu.memref_squeeze %dma_start3A_25 : memref<1x1x200xi32, #tpu.memory_space<vmem>> -> memref<200xi32, #tpu.memory_space<vmem>>
    %dma_start3A_27 = arith.constant 0 : i32
    %dma_start3A_28 = arith.constant 0 : i32
    %dma_start3A_29 = tpu.memref_slice %arg3[%dma_start3A_27, %dma_start3A_28] : memref<1000000x64xf32, #tpu.memory_space<hbm>> -> memref<1000000x64xf32, #tpu.memory_space<hbm>>
    tpu.enqueue_indirect_dma source(%dma_start3A_29 : memref<1000000x64xf32, #tpu.memory_space<hbm>>) target(%arg8 : memref<200x64xf32, #tpu.memory_space<vmem>>) offsets(%dma_start3A_26 : memref<200xi32, #tpu.memory_space<vmem>>) semaphore(%arg13 : memref<!tpu.dma_semaphore, #tpu.memory_space<semaphore_mem>>)
    %dma_start3A_30 = arith.constant 0 : i32
    %dma_start3A_31 = arith.constant 3 : i32
    %dma_start3A_32 = arith.constant 0 : i32
    %dma_start3A_33 = tpu.memref_slice %arg5[%dma_start3A_30, %dma_start3A_31, %dma_start3A_32] : memref<2x16x200xi32, #tpu.memory_space<vmem>> -> memref<1x1x200xi32, #tpu.memory_space<vmem>>
    %dma_start3A_34 = tpu.memref_squeeze %dma_start3A_33 : memref<1x1x200xi32, #tpu.memory_space<vmem>> -> memref<200xi32, #tpu.memory_space<vmem>>
    %dma_start3A_35 = arith.constant 0 : i32
    %dma_start3A_36 = arith.constant 0 : i32
    %dma_start3A_37 = tpu.memref_slice %arg3[%dma_start3A_35, %dma_start3A_36] : memref<1000000x64xf32, #tpu.memory_space<hbm>> -> memref<1000000x64xf32, #tpu.memory_space<hbm>>
    tpu.enqueue_indirect_dma source(%dma_start3A_37 : memref<1000000x64xf32, #tpu.memory_space<hbm>>) target(%arg9 : memref<200x64xf32, #tpu.memory_space<vmem>>) offsets(%dma_start3A_34 : memref<200xi32, #tpu.memory_space<vmem>>) semaphore(%arg14 : memref<!tpu.dma_semaphore, #tpu.memory_space<semaphore_mem>>)
    %scan3A_38 = arith.constant 0 : i32
    %scan3A_39 = arith.constant 32 : i32
    %scan3A_40 = arith.addi %scan3A_38, %scan3A_39 : i32
    %scan3A_41 = arith.constant 1 : i32
    scf.for %scan3A_43 = %scan3A_38 to %scan3A_40 step %scan3A_41  : i32 {
      %mul3A_44 = arith.constant 1 : i32
      %mul3A_45 = arith.muli %scan3A_43, %mul3A_44 : i32
      %add3A_46 = arith.constant 0 : i32
      %add3A_47 = arith.addi %add3A_46, %mul3A_45 : i32
      %rem3A = arith.constant 2 : i32
      %rem3A_48 = arith.remsi %add3A_47, %rem3A : i32
      %dma_wait3A = arith.constant 0 : i32
      %dma_wait3A_49 = arith.constant 0 : i32
      %dma_wait3A_50 = arith.constant 0 : i32
      %dma_wait3A_51 = tpu.memref_slice %arg5[%dma_wait3A, %dma_wait3A_49, %dma_wait3A_50] : memref<2x16x200xi32, #tpu.memory_space<vmem>> -> memref<1x1x200xi32, #tpu.memory_space<vmem>>
      %dma_wait3A_52 = tpu.memref_squeeze %dma_wait3A_51 : memref<1x1x200xi32, #tpu.memory_space<vmem>> -> memref<200xi32, #tpu.memory_space<vmem>>
      %dma_wait3A_53 = arith.constant 0 : i32
      %dma_wait3A_54 = arith.constant 0 : i32
      %dma_wait3A_55 = tpu.memref_slice %arg3[%dma_wait3A_53, %dma_wait3A_54] : memref<1000000x64xf32, #tpu.memory_space<hbm>> -> memref<1000000x64xf32, #tpu.memory_space<hbm>>
      tpu.wait_indirect_dma semaphore(%arg11 : memref<!tpu.dma_semaphore, #tpu.memory_space<semaphore_mem>>) src(%dma_wait3A_55 : memref<1000000x64xf32, #tpu.memory_space<hbm>>) dst(%arg6 : memref<200x64xf32, #tpu.memory_space<vmem>>)
      %dma_wait3A_56 = arith.constant 0 : i32
      %dma_wait3A_57 = arith.constant 0 : i32
      %dma_wait3A_58 = arith.constant 0 : i32
      %dma_wait3A_59 = tpu.memref_slice %arg5[%dma_wait3A_56, %dma_wait3A_57, %dma_wait3A_58] : memref<2x16x200xi32, #tpu.memory_space<vmem>> -> memref<1x1x200xi32, #tpu.memory_space<vmem>>
      %dma_wait3A_60 = tpu.memref_squeeze %dma_wait3A_59 : memref<1x1x200xi32, #tpu.memory_space<vmem>> -> memref<200xi32, #tpu.memory_space<vmem>>
      %dma_wait3A_61 = arith.constant 0 : i32
      %dma_wait3A_62 = arith.constant 0 : i32
      %dma_wait3A_63 = tpu.memref_slice %arg3[%dma_wait3A_61, %dma_wait3A_62] : memref<1000000x64xf32, #tpu.memory_space<hbm>> -> memref<1000000x64xf32, #tpu.memory_space<hbm>>
      tpu.wait_indirect_dma semaphore(%arg12 : memref<!tpu.dma_semaphore, #tpu.memory_space<semaphore_mem>>) src(%dma_wait3A_63 : memref<1000000x64xf32, #tpu.memory_space<hbm>>) dst(%arg7 : memref<200x64xf32, #tpu.memory_space<vmem>>)
      %scan3A_64 = arith.constant 0 : i32
      %scan3A_65 = arith.constant 200 : i32
      %scan3A_66 = arith.addi %scan3A_64, %scan3A_65 : i32
      %scan3A_67 = arith.constant 1 : i32
      scf.for %scan3A_312 = %scan3A_64 to %scan3A_66 step %scan3A_67  : i32 {
        %mul3A_313 = arith.constant 1 : i32
        %mul3A_314 = arith.muli %scan3A_312, %mul3A_313 : i32
        %add3A_315 = arith.constant 0 : i32
        %add3A_316 = arith.addi %add3A_315, %mul3A_314 : i32
        %get3A = arith.index_cast %add3A_316 : i32 to index
        %get3A_317 = arith.constant 0 : index
        %get3A_318 = tpu.vector_load %arg10[%get3A, %get3A_317] {strides = array<i32>} : memref<200x64xf32, #tpu.memory_space<vmem>>, vector<1x16xf32>,
        %get3A_319 = vector.shape_cast %get3A_318 : vector<1x16xf32> to vector<16xf32>
        %get3A_320 = arith.index_cast %add3A_316 : i32 to index
        %get3A_321 = arith.constant 0 : index
        %get3A_322 = tpu.vector_load %arg6[%get3A_320, %get3A_321] {strides = array<i32>} : memref<200x64xf32, #tpu.memory_space<vmem>>, vector<1x16xf32>,
        %get3A_323 = vector.shape_cast %get3A_322 : vector<1x16xf32> to vector<16xf32>
        %add3A_324 = arith.addf %get3A_319, %get3A_323 : vector<16xf32>
        %get3A_325 = arith.index_cast %add3A_316 : i32 to index
        %get3A_326 = arith.constant 0 : index
        %get3A_327 = tpu.vector_load %arg7[%get3A_325, %get3A_326] {strides = array<i32>} : memref<200x64xf32, #tpu.memory_space<vmem>>, vector<1x16xf32>,
        %get3A_328 = vector.shape_cast %get3A_327 : vector<1x16xf32> to vector<16xf32>
        %add3A_329 = arith.addf %add3A_324, %get3A_328 : vector<16xf32>
        %swap3A = arith.index_cast %add3A_316 : i32 to index
        %swap3A_330 = arith.constant 0 : index
        %swap3A_331 = tpu.vector_load %arg10[%swap3A, %swap3A_330] {strides = array<i32>} : memref<200x64xf32, #tpu.memory_space<vmem>>, vector<1x16xf32>,
        %swap3A_332 = vector.shape_cast %swap3A_331 : vector<1x16xf32> to vector<16xf32>
        %swap3A_333 = vector.shape_cast %add3A_329 : vector<16xf32> to vector<1x16xf32>
        tpu.vector_store %arg10[%swap3A, %swap3A_330], %swap3A_333 {strides = array<i32>} : memref<200x64xf32, #tpu.memory_space<vmem>>, vector<1x16xf32>,
        %get3A_334 = arith.index_cast %add3A_316 : i32 to index
        %get3A_335 = arith.constant 16 : index
        %get3A_336 = tpu.vector_load %arg10[%get3A_334, %get3A_335] {strides = array<i32>} : memref<200x64xf32, #tpu.memory_space<vmem>>, vector<1x16xf32>,
        %get3A_337 = vector.shape_cast %get3A_336 : vector<1x16xf32> to vector<16xf32>
        %get3A_338 = arith.index_cast %add3A_316 : i32 to index
        %get3A_339 = arith.constant 16 : index
        %get3A_340 = tpu.vector_load %arg6[%get3A_338, %get3A_339] {strides = array<i32>} : memref<200x64xf32, #tpu.memory_space<vmem>>, vector<1x16xf32>,
        %get3A_341 = vector.shape_cast %get3A_340 : vector<1x16xf32> to vector<16xf32>
        %add3A_342 = arith.addf %get3A_337, %get3A_341 : vector<16xf32>
        %get3A_343 = arith.index_cast %add3A_316 : i32 to index
        %get3A_344 = arith.constant 16 : index
        %get3A_345 = tpu.vector_load %arg7[%get3A_343, %get3A_344] {strides = array<i32>} : memref<200x64xf32, #tpu.memory_space<vmem>>, vector<1x16xf32>,
        %get3A_346 = vector.shape_cast %get3A_345 : vector<1x16xf32> to vector<16xf32>
        %add3A_347 = arith.addf %add3A_342, %get3A_346 : vector<16xf32>
        %swap3A_348 = arith.index_cast %add3A_316 : i32 to index
        %swap3A_349 = arith.constant 16 : index
        %swap3A_350 = tpu.vector_load %arg10[%swap3A_348, %swap3A_349] {strides = array<i32>} : memref<200x64xf32, #tpu.memory_space<vmem>>, vector<1x16xf32>,
        %swap3A_351 = vector.shape_cast %swap3A_350 : vector<1x16xf32> to vector<16xf32>
        %swap3A_352 = vector.shape_cast %add3A_347 : vector<16xf32> to vector<1x16xf32>
        tpu.vector_store %arg10[%swap3A_348, %swap3A_349], %swap3A_352 {strides = array<i32>} : memref<200x64xf32, #tpu.memory_space<vmem>>, vector<1x16xf32>,
        %get3A_353 = arith.index_cast %add3A_316 : i32 to index
        %get3A_354 = arith.constant 32 : index
        %get3A_355 = tpu.vector_load %arg10[%get3A_353, %get3A_354] {strides = array<i32>} : memref<200x64xf32, #tpu.memory_space<vmem>>, vector<1x16xf32>,
        %get3A_356 = vector.shape_cast %get3A_355 : vector<1x16xf32> to vector<16xf32>
        %get3A_357 = arith.index_cast %add3A_316 : i32 to index
        %get3A_358 = arith.constant 32 : index
        %get3A_359 = tpu.vector_load %arg6[%get3A_357, %get3A_358] {strides = array<i32>} : memref<200x64xf32, #tpu.memory_space<vmem>>, vector<1x16xf32>,
        %get3A_360 = vector.shape_cast %get3A_359 : vector<1x16xf32> to vector<16xf32>
        %add3A_361 = arith.addf %get3A_356, %get3A_360 : vector<16xf32>
        %get3A_362 = arith.index_cast %add3A_316 : i32 to index
        %get3A_363 = arith.constant 32 : index
        %get3A_364 = tpu.vector_load %arg7[%get3A_362, %get3A_363] {strides = array<i32>} : memref<200x64xf32, #tpu.memory_space<vmem>>, vector<1x16xf32>,
        %get3A_365 = vector.shape_cast %get3A_364 : vector<1x16xf32> to vector<16xf32>
        %add3A_366 = arith.addf %add3A_361, %get3A_365 : vector<16xf32>
        %swap3A_367 = arith.index_cast %add3A_316 : i32 to index
        %swap3A_368 = arith.constant 32 : index
        %swap3A_369 = tpu.vector_load %arg10[%swap3A_367, %swap3A_368] {strides = array<i32>} : memref<200x64xf32, #tpu.memory_space<vmem>>, vector<1x16xf32>,
        %swap3A_370 = vector.shape_cast %swap3A_369 : vector<1x16xf32> to vector<16xf32>
        %swap3A_371 = vector.shape_cast %add3A_366 : vector<16xf32> to vector<1x16xf32>
        tpu.vector_store %arg10[%swap3A_367, %swap3A_368], %swap3A_371 {strides = array<i32>} : memref<200x64xf32, #tpu.memory_space<vmem>>, vector<1x16xf32>,
        %get3A_372 = arith.index_cast %add3A_316 : i32 to index
        %get3A_373 = arith.constant 48 : index
        %get3A_374 = tpu.vector_load %arg10[%get3A_372, %get3A_373] {strides = array<i32>} : memref<200x64xf32, #tpu.memory_space<vmem>>, vector<1x16xf32>,
        %get3A_375 = vector.shape_cast %get3A_374 : vector<1x16xf32> to vector<16xf32>
        %get3A_376 = arith.index_cast %add3A_316 : i32 to index
        %get3A_377 = arith.constant 48 : index
        %get3A_378 = tpu.vector_load %arg6[%get3A_376, %get3A_377] {strides = array<i32>} : memref<200x64xf32, #tpu.memory_space<vmem>>, vector<1x16xf32>,
        %get3A_379 = vector.shape_cast %get3A_378 : vector<1x16xf32> to vector<16xf32>
        %add3A_380 = arith.addf %get3A_375, %get3A_379 : vector<16xf32>
        %get3A_381 = arith.index_cast %add3A_316 : i32 to index
        %get3A_382 = arith.constant 48 : index
        %get3A_383 = tpu.vector_load %arg7[%get3A_381, %get3A_382] {strides = array<i32>} : memref<200x64xf32, #tpu.memory_space<vmem>>, vector<1x16xf32>,
        %get3A_384 = vector.shape_cast %get3A_383 : vector<1x16xf32> to vector<16xf32>
        %add3A_385 = arith.addf %add3A_380, %get3A_384 : vector<16xf32>
        %swap3A_386 = arith.index_cast %add3A_316 : i32 to index
        %swap3A_387 = arith.constant 48 : index
        %swap3A_388 = tpu.vector_load %arg10[%swap3A_386, %swap3A_387] {strides = array<i32>} : memref<200x64xf32, #tpu.memory_space<vmem>>, vector<1x16xf32>,
        %swap3A_389 = vector.shape_cast %swap3A_388 : vector<1x16xf32> to vector<16xf32>
        %swap3A_390 = vector.shape_cast %add3A_385 : vector<16xf32> to vector<1x16xf32>
        tpu.vector_store %arg10[%swap3A_386, %swap3A_387], %swap3A_390 {strides = array<i32>} : memref<200x64xf32, #tpu.memory_space<vmem>>, vector<1x16xf32>,
      }
      %scan3A_68 = arith.constant 200 : i32
      %dma_start3A_69 = arith.constant 4 : i32
      %dma_start3A_70 = arith.constant 0 : i32
      %dma_start3A_71 = tpu.memref_slice %arg5[%rem3A_48, %dma_start3A_69, %dma_start3A_70] : memref<2x16x200xi32, #tpu.memory_space<vmem>> -> memref<1x1x200xi32, #tpu.memory_space<vmem>>
      %dma_start3A_72 = tpu.memref_squeeze %dma_start3A_71 : memref<1x1x200xi32, #tpu.memory_space<vmem>> -> memref<200xi32, #tpu.memory_space<vmem>>
      %dma_start3A_73 = arith.constant 0 : i32
      %dma_start3A_74 = arith.constant 0 : i32
      %dma_start3A_75 = tpu.memref_slice %arg3[%dma_start3A_73, %dma_start3A_74] : memref<1000000x64xf32, #tpu.memory_space<hbm>> -> memref<1000000x64xf32, #tpu.memory_space<hbm>>
      tpu.enqueue_indirect_dma source(%dma_start3A_75 : memref<1000000x64xf32, #tpu.memory_space<hbm>>) target(%arg6 : memref<200x64xf32, #tpu.memory_space<vmem>>) offsets(%dma_start3A_72 : memref<200xi32, #tpu.memory_space<vmem>>) semaphore(%arg11 : memref<!tpu.dma_semaphore, #tpu.memory_space<semaphore_mem>>)
      %dma_start3A_76 = arith.constant 5 : i32
      %dma_start3A_77 = arith.constant 0 : i32
      %dma_start3A_78 = tpu.memref_slice %arg5[%rem3A_48, %dma_start3A_76, %dma_start3A_77] : memref<2x16x200xi32, #tpu.memory_space<vmem>> -> memref<1x1x200xi32, #tpu.memory_space<vmem>>
      %dma_start3A_79 = tpu.memref_squeeze %dma_start3A_78 : memref<1x1x200xi32, #tpu.memory_space<vmem>> -> memref<200xi32, #tpu.memory_space<vmem>>
      %dma_start3A_80 = arith.constant 0 : i32
      %dma_start3A_81 = arith.constant 0 : i32
      %dma_start3A_82 = tpu.memref_slice %arg3[%dma_start3A_80, %dma_start3A_81] : memref<1000000x64xf32, #tpu.memory_space<hbm>> -> memref<1000000x64xf32, #tpu.memory_space<hbm>>
      tpu.enqueue_indirect_dma source(%dma_start3A_82 : memref<1000000x64xf32, #tpu.memory_space<hbm>>) target(%arg7 : memref<200x64xf32, #tpu.memory_space<vmem>>) offsets(%dma_start3A_79 : memref<200xi32, #tpu.memory_space<vmem>>) semaphore(%arg12 : memref<!tpu.dma_semaphore, #tpu.memory_space<semaphore_mem>>)
      %lt3A = arith.constant 31 : i32
      %lt3A_83 = arith.cmpi slt, %add3A_47, %lt3A : i32
      %convert_element_type3A = arith.extui %lt3A_83 : i1 to i32
      %cond3A = arith.constant 0 : i32
      %cond3A_84 = arith.cmpi ne, %convert_element_type3A, %cond3A : i32
      scf.if %cond3A_84 {
        %add3A_312 = arith.constant 1 : i32
        %add3A_313 = arith.addi %add3A_47, %add3A_312 : i32
        %mul3A_314 = arith.constant 16 : i32
        %mul3A_315 = arith.muli %add3A_313, %mul3A_314 : i32
        %add3A_316 = arith.addi %mul3A_2, %mul3A_315 : i32
        %sub3A = arith.constant 1 : i32
        %sub3A_317 = arith.subi %sub3A, %rem3A_48 : i32
        %dma_start3A_318 = arith.constant 0 : i32
        %dma_start3A_319 = arith.constant 0 : i32
        %dma_start3A_320 = tpu.memref_slice %arg5[%sub3A_317, %dma_start3A_318, %dma_start3A_319] : memref<2x16x200xi32, #tpu.memory_space<vmem>> -> memref<1x16x200xi32, #tpu.memory_space<vmem>>
        %dma_start3A_321 = tpu.memref_squeeze %dma_start3A_320 : memref<1x16x200xi32, #tpu.memory_space<vmem>> -> memref<16x200xi32, #tpu.memory_space<vmem>>
        %dma_start3A_322 = arith.constant 0 : i32
        %dma_start3A_323 = tpu.memref_slice %arg2[%add3A_316, %dma_start3A_322] : memref<16384x200xi32, #tpu.memory_space<hbm>> -> memref<16x200xi32, #tpu.memory_space<hbm>>
        %dma_start3A_324 = arith.constant 0 : i32
        %dma_start3A_325 = arith.constant 0 : i32
        %dma_start3A_326 = tpu.memref_slice %arg5[%sub3A_317, %dma_start3A_324, %dma_start3A_325] : memref<2x16x200xi32, #tpu.memory_space<vmem>> -> memref<1x16x200xi32, #tpu.memory_space<vmem>>
        %dma_start3A_327 = tpu.memref_squeeze %dma_start3A_326 : memref<1x16x200xi32, #tpu.memory_space<vmem>> -> memref<16x200xi32, #tpu.memory_space<vmem>>
        %dma_start3A_328 = arith.constant 0 : i32
        %dma_start3A_329 = tpu.memref_slice %arg2[%add3A_316, %dma_start3A_328] : memref<16384x200xi32, #tpu.memory_space<hbm>> -> memref<16x200xi32, #tpu.memory_space<hbm>>
        tpu.enqueue_dma source(%dma_start3A_329 : memref<16x200xi32, #tpu.memory_space<hbm>>) target(%dma_start3A_327 : memref<16x200xi32, #tpu.memory_space<vmem>>) target_semaphore(%arg15 : memref<!tpu.dma_semaphore, #tpu.memory_space<semaphore_mem>>)
      } else {
      }
      %dma_wait3A_85 = arith.constant 0 : i32
      %dma_wait3A_86 = arith.constant 0 : i32
      %dma_wait3A_87 = arith.constant 0 : i32
      %dma_wait3A_88 = tpu.memref_slice %arg5[%dma_wait3A_85, %dma_wait3A_86, %dma_wait3A_87] : memref<2x16x200xi32, #tpu.memory_space<vmem>> -> memref<1x1x200xi32, #tpu.memory_space<vmem>>
      %dma_wait3A_89 = tpu.memref_squeeze %dma_wait3A_88 : memref<1x1x200xi32, #tpu.memory_space<vmem>> -> memref<200xi32, #tpu.memory_space<vmem>>
      %dma_wait3A_90 = arith.constant 0 : i32
      %dma_wait3A_91 = arith.constant 0 : i32
      %dma_wait3A_92 = tpu.memref_slice %arg3[%dma_wait3A_90, %dma_wait3A_91] : memref<1000000x64xf32, #tpu.memory_space<hbm>> -> memref<1000000x64xf32, #tpu.memory_space<hbm>>
      tpu.wait_indirect_dma semaphore(%arg13 : memref<!tpu.dma_semaphore, #tpu.memory_space<semaphore_mem>>) src(%dma_wait3A_92 : memref<1000000x64xf32, #tpu.memory_space<hbm>>) dst(%arg8 : memref<200x64xf32, #tpu.memory_space<vmem>>)
      %dma_wait3A_93 = arith.constant 0 : i32
      %dma_wait3A_94 = arith.constant 0 : i32
      %dma_wait3A_95 = arith.constant 0 : i32
      %dma_wait3A_96 = tpu.memref_slice %arg5[%dma_wait3A_93, %dma_wait3A_94, %dma_wait3A_95] : memref<2x16x200xi32, #tpu.memory_space<vmem>> -> memref<1x1x200xi32, #tpu.memory_space<vmem>>
      %dma_wait3A_97 = tpu.memref_squeeze %dma_wait3A_96 : memref<1x1x200xi32, #tpu.memory_space<vmem>> -> memref<200xi32, #tpu.memory_space<vmem>>
      %dma_wait3A_98 = arith.constant 0 : i32
      %dma_wait3A_99 = arith.constant 0 : i32
      %dma_wait3A_100 = tpu.memref_slice %arg3[%dma_wait3A_98, %dma_wait3A_99] : memref<1000000x64xf32, #tpu.memory_space<hbm>> -> memref<1000000x64xf32, #tpu.memory_space<hbm>>
      tpu.wait_indirect_dma semaphore(%arg14 : memref<!tpu.dma_semaphore, #tpu.memory_space<semaphore_mem>>) src(%dma_wait3A_100 : memref<1000000x64xf32, #tpu.memory_space<hbm>>) dst(%arg9 : memref<200x64xf32, #tpu.memory_space<vmem>>)
      %scan3A_101 = arith.constant 0 : i32
      %scan3A_102 = arith.constant 200 : i32
      %scan3A_103 = arith.addi %scan3A_101, %scan3A_102 : i32
      %scan3A_104 = arith.constant 1 : i32
      scf.for %scan3A_312 = %scan3A_101 to %scan3A_103 step %scan3A_104  : i32 {
        %mul3A_313 = arith.constant 1 : i32
        %mul3A_314 = arith.muli %scan3A_312, %mul3A_313 : i32
        %add3A_315 = arith.constant 0 : i32
        %add3A_316 = arith.addi %add3A_315, %mul3A_314 : i32
        %get3A = arith.index_cast %add3A_316 : i32 to index
        %get3A_317 = arith.constant 0 : index
        %get3A_318 = tpu.vector_load %arg10[%get3A, %get3A_317] {strides = array<i32>} : memref<200x64xf32, #tpu.memory_space<vmem>>, vector<1x16xf32>,
        %get3A_319 = vector.shape_cast %get3A_318 : vector<1x16xf32> to vector<16xf32>
        %get3A_320 = arith.index_cast %add3A_316 : i32 to index
        %get3A_321 = arith.constant 0 : index
        %get3A_322 = tpu.vector_load %arg8[%get3A_320, %get3A_321] {strides = array<i32>} : memref<200x64xf32, #tpu.memory_space<vmem>>, vector<1x16xf32>,
        %get3A_323 = vector.shape_cast %get3A_322 : vector<1x16xf32> to vector<16xf32>
        %add3A_324 = arith.addf %get3A_319, %get3A_323 : vector<16xf32>
        %get3A_325 = arith.index_cast %add3A_316 : i32 to index
        %get3A_326 = arith.constant 0 : index
        %get3A_327 = tpu.vector_load %arg9[%get3A_325, %get3A_326] {strides = array<i32>} : memref<200x64xf32, #tpu.memory_space<vmem>>, vector<1x16xf32>,
        %get3A_328 = vector.shape_cast %get3A_327 : vector<1x16xf32> to vector<16xf32>
        %add3A_329 = arith.addf %add3A_324, %get3A_328 : vector<16xf32>
        %swap3A = arith.index_cast %add3A_316 : i32 to index
        %swap3A_330 = arith.constant 0 : index
        %swap3A_331 = tpu.vector_load %arg10[%swap3A, %swap3A_330] {strides = array<i32>} : memref<200x64xf32, #tpu.memory_space<vmem>>, vector<1x16xf32>,
        %swap3A_332 = vector.shape_cast %swap3A_331 : vector<1x16xf32> to vector<16xf32>
        %swap3A_333 = vector.shape_cast %add3A_329 : vector<16xf32> to vector<1x16xf32>
        tpu.vector_store %arg10[%swap3A, %swap3A_330], %swap3A_333 {strides = array<i32>} : memref<200x64xf32, #tpu.memory_space<vmem>>, vector<1x16xf32>,
        %get3A_334 = arith.index_cast %add3A_316 : i32 to index
        %get3A_335 = arith.constant 16 : index
        %get3A_336 = tpu.vector_load %arg10[%get3A_334, %get3A_335] {strides = array<i32>} : memref<200x64xf32, #tpu.memory_space<vmem>>, vector<1x16xf32>,
        %get3A_337 = vector.shape_cast %get3A_336 : vector<1x16xf32> to vector<16xf32>
        %get3A_338 = arith.index_cast %add3A_316 : i32 to index
        %get3A_339 = arith.constant 16 : index
        %get3A_340 = tpu.vector_load %arg8[%get3A_338, %get3A_339] {strides = array<i32>} : memref<200x64xf32, #tpu.memory_space<vmem>>, vector<1x16xf32>,
        %get3A_341 = vector.shape_cast %get3A_340 : vector<1x16xf32> to vector<16xf32>
        %add3A_342 = arith.addf %get3A_337, %get3A_341 : vector<16xf32>
        %get3A_343 = arith.index_cast %add3A_316 : i32 to index
        %get3A_344 = arith.constant 16 : index
        %get3A_345 = tpu.vector_load %arg9[%get3A_343, %get3A_344] {strides = array<i32>} : memref<200x64xf32, #tpu.memory_space<vmem>>, vector<1x16xf32>,
        %get3A_346 = vector.shape_cast %get3A_345 : vector<1x16xf32> to vector<16xf32>
        %add3A_347 = arith.addf %add3A_342, %get3A_346 : vector<16xf32>
        %swap3A_348 = arith.index_cast %add3A_316 : i32 to index
        %swap3A_349 = arith.constant 16 : index
        %swap3A_350 = tpu.vector_load %arg10[%swap3A_348, %swap3A_349] {strides = array<i32>} : memref<200x64xf32, #tpu.memory_space<vmem>>, vector<1x16xf32>,
        %swap3A_351 = vector.shape_cast %swap3A_350 : vector<1x16xf32> to vector<16xf32>
        %swap3A_352 = vector.shape_cast %add3A_347 : vector<16xf32> to vector<1x16xf32>
        tpu.vector_store %arg10[%swap3A_348, %swap3A_349], %swap3A_352 {strides = array<i32>} : memref<200x64xf32, #tpu.memory_space<vmem>>, vector<1x16xf32>,
        %get3A_353 = arith.index_cast %add3A_316 : i32 to index
        %get3A_354 = arith.constant 32 : index
        %get3A_355 = tpu.vector_load %arg10[%get3A_353, %get3A_354] {strides = array<i32>} : memref<200x64xf32, #tpu.memory_space<vmem>>, vector<1x16xf32>,
        %get3A_356 = vector.shape_cast %get3A_355 : vector<1x16xf32> to vector<16xf32>
        %get3A_357 = arith.index_cast %add3A_316 : i32 to index
        %get3A_358 = arith.constant 32 : index
        %get3A_359 = tpu.vector_load %arg8[%get3A_357, %get3A_358] {strides = array<i32>} : memref<200x64xf32, #tpu.memory_space<vmem>>, vector<1x16xf32>,
        %get3A_360 = vector.shape_cast %get3A_359 : vector<1x16xf32> to vector<16xf32>
        %add3A_361 = arith.addf %get3A_356, %get3A_360 : vector<16xf32>
        %get3A_362 = arith.index_cast %add3A_316 : i32 to index
        %get3A_363 = arith.constant 32 : index
        %get3A_364 = tpu.vector_load %arg9[%get3A_362, %get3A_363] {strides = array<i32>} : memref<200x64xf32, #tpu.memory_space<vmem>>, vector<1x16xf32>,
        %get3A_365 = vector.shape_cast %get3A_364 : vector<1x16xf32> to vector<16xf32>
        %add3A_366 = arith.addf %add3A_361, %get3A_365 : vector<16xf32>
        %swap3A_367 = arith.index_cast %add3A_316 : i32 to index
        %swap3A_368 = arith.constant 32 : index
        %swap3A_369 = tpu.vector_load %arg10[%swap3A_367, %swap3A_368] {strides = array<i32>} : memref<200x64xf32, #tpu.memory_space<vmem>>, vector<1x16xf32>,
        %swap3A_370 = vector.shape_cast %swap3A_369 : vector<1x16xf32> to vector<16xf32>
        %swap3A_371 = vector.shape_cast %add3A_366 : vector<16xf32> to vector<1x16xf32>
        tpu.vector_store %arg10[%swap3A_367, %swap3A_368], %swap3A_371 {strides = array<i32>} : memref<200x64xf32, #tpu.memory_space<vmem>>, vector<1x16xf32>,
        %get3A_372 = arith.index_cast %add3A_316 : i32 to index
        %get3A_373 = arith.constant 48 : index
        %get3A_374 = tpu.vector_load %arg10[%get3A_372, %get3A_373] {strides = array<i32>} : memref<200x64xf32, #tpu.memory_space<vmem>>, vector<1x16xf32>,
        %get3A_375 = vector.shape_cast %get3A_374 : vector<1x16xf32> to vector<16xf32>
        %get3A_376 = arith.index_cast %add3A_316 : i32 to index
        %get3A_377 = arith.constant 48 : index
        %get3A_378 = tpu.vector_load %arg8[%get3A_376, %get3A_377] {strides = array<i32>} : memref<200x64xf32, #tpu.memory_space<vmem>>, vector<1x16xf32>,
        %get3A_379 = vector.shape_cast %get3A_378 : vector<1x16xf32> to vector<16xf32>
        %add3A_380 = arith.addf %get3A_375, %get3A_379 : vector<16xf32>
        %get3A_381 = arith.index_cast %add3A_316 : i32 to index
        %get3A_382 = arith.constant 48 : index
        %get3A_383 = tpu.vector_load %arg9[%get3A_381, %get3A_382] {strides = array<i32>} : memref<200x64xf32, #tpu.memory_space<vmem>>, vector<1x16xf32>,
        %get3A_384 = vector.shape_cast %get3A_383 : vector<1x16xf32> to vector<16xf32>
        %add3A_385 = arith.addf %add3A_380, %get3A_384 : vector<16xf32>
        %swap3A_386 = arith.index_cast %add3A_316 : i32 to index
        %swap3A_387 = arith.constant 48 : index
        %swap3A_388 = tpu.vector_load %arg10[%swap3A_386, %swap3A_387] {strides = array<i32>} : memref<200x64xf32, #tpu.memory_space<vmem>>, vector<1x16xf32>,
        %swap3A_389 = vector.shape_cast %swap3A_388 : vector<1x16xf32> to vector<16xf32>
        %swap3A_390 = vector.shape_cast %add3A_385 : vector<16xf32> to vector<1x16xf32>
        tpu.vector_store %arg10[%swap3A_386, %swap3A_387], %swap3A_390 {strides = array<i32>} : memref<200x64xf32, #tpu.memory_space<vmem>>, vector<1x16xf32>,
      }
      %scan3A_105 = arith.constant 200 : i32
      %dma_start3A_106 = arith.constant 6 : i32
      %dma_start3A_107 = arith.constant 0 : i32
      %dma_start3A_108 = tpu.memref_slice %arg5[%rem3A_48, %dma_start3A_106, %dma_start3A_107] : memref<2x16x200xi32, #tpu.memory_space<vmem>> -> memref<1x1x200xi32, #tpu.memory_space<vmem>>
      %dma_start3A_109 = tpu.memref_squeeze %dma_start3A_108 : memref<1x1x200xi32, #tpu.memory_space<vmem>> -> memref<200xi32, #tpu.memory_space<vmem>>
      %dma_start3A_110 = arith.constant 0 : i32
      %dma_start3A_111 = arith.constant 0 : i32
      %dma_start3A_112 = tpu.memref_slice %arg3[%dma_start3A_110, %dma_start3A_111] : memref<1000000x64xf32, #tpu.memory_space<hbm>> -> memref<1000000x64xf32, #tpu.memory_space<hbm>>
      tpu.enqueue_indirect_dma source(%dma_start3A_112 : memref<1000000x64xf32, #tpu.memory_space<hbm>>) target(%arg8 : memref<200x64xf32, #tpu.memory_space<vmem>>) offsets(%dma_start3A_109 : memref<200xi32, #tpu.memory_space<vmem>>) semaphore(%arg13 : memref<!tpu.dma_semaphore, #tpu.memory_space<semaphore_mem>>)
      %dma_start3A_113 = arith.constant 7 : i32
      %dma_start3A_114 = arith.constant 0 : i32
      %dma_start3A_115 = tpu.memref_slice %arg5[%rem3A_48, %dma_start3A_113, %dma_start3A_114] : memref<2x16x200xi32, #tpu.memory_space<vmem>> -> memref<1x1x200xi32, #tpu.memory_space<vmem>>
      %dma_start3A_116 = tpu.memref_squeeze %dma_start3A_115 : memref<1x1x200xi32, #tpu.memory_space<vmem>> -> memref<200xi32, #tpu.memory_space<vmem>>
      %dma_start3A_117 = arith.constant 0 : i32
      %dma_start3A_118 = arith.constant 0 : i32
      %dma_start3A_119 = tpu.memref_slice %arg3[%dma_start3A_117, %dma_start3A_118] : memref<1000000x64xf32, #tpu.memory_space<hbm>> -> memref<1000000x64xf32, #tpu.memory_space<hbm>>
      tpu.enqueue_indirect_dma source(%dma_start3A_119 : memref<1000000x64xf32, #tpu.memory_space<hbm>>) target(%arg9 : memref<200x64xf32, #tpu.memory_space<vmem>>) offsets(%dma_start3A_116 : memref<200xi32, #tpu.memory_space<vmem>>) semaphore(%arg14 : memref<!tpu.dma_semaphore, #tpu.memory_space<semaphore_mem>>)
      %dma_wait3A_120 = arith.constant 0 : i32
      %dma_wait3A_121 = arith.constant 0 : i32
      %dma_wait3A_122 = arith.constant 0 : i32
      %dma_wait3A_123 = tpu.memref_slice %arg5[%dma_wait3A_120, %dma_wait3A_121, %dma_wait3A_122] : memref<2x16x200xi32, #tpu.memory_space<vmem>> -> memref<1x1x200xi32, #tpu.memory_space<vmem>>
      %dma_wait3A_124 = tpu.memref_squeeze %dma_wait3A_123 : memref<1x1x200xi32, #tpu.memory_space<vmem>> -> memref<200xi32, #tpu.memory_space<vmem>>
      %dma_wait3A_125 = arith.constant 0 : i32
      %dma_wait3A_126 = arith.constant 0 : i32
      %dma_wait3A_127 = tpu.memref_slice %arg3[%dma_wait3A_125, %dma_wait3A_126] : memref<1000000x64xf32, #tpu.memory_space<hbm>> -> memref<1000000x64xf32, #tpu.memory_space<hbm>>
      tpu.wait_indirect_dma semaphore(%arg11 : memref<!tpu.dma_semaphore, #tpu.memory_space<semaphore_mem>>) src(%dma_wait3A_127 : memref<1000000x64xf32, #tpu.memory_space<hbm>>) dst(%arg6 : memref<200x64xf32, #tpu.memory_space<vmem>>)
      %dma_wait3A_128 = arith.constant 0 : i32
      %dma_wait3A_129 = arith.constant 0 : i32
      %dma_wait3A_130 = arith.constant 0 : i32
      %dma_wait3A_131 = tpu.memref_slice %arg5[%dma_wait3A_128, %dma_wait3A_129, %dma_wait3A_130] : memref<2x16x200xi32, #tpu.memory_space<vmem>> -> memref<1x1x200xi32, #tpu.memory_space<vmem>>
      %dma_wait3A_132 = tpu.memref_squeeze %dma_wait3A_131 : memref<1x1x200xi32, #tpu.memory_space<vmem>> -> memref<200xi32, #tpu.memory_space<vmem>>
      %dma_wait3A_133 = arith.constant 0 : i32
      %dma_wait3A_134 = arith.constant 0 : i32
      %dma_wait3A_135 = tpu.memref_slice %arg3[%dma_wait3A_133, %dma_wait3A_134] : memref<1000000x64xf32, #tpu.memory_space<hbm>> -> memref<1000000x64xf32, #tpu.memory_space<hbm>>
      tpu.wait_indirect_dma semaphore(%arg12 : memref<!tpu.dma_semaphore, #tpu.memory_space<semaphore_mem>>) src(%dma_wait3A_135 : memref<1000000x64xf32, #tpu.memory_space<hbm>>) dst(%arg7 : memref<200x64xf32, #tpu.memory_space<vmem>>)
      %scan3A_136 = arith.constant 0 : i32
      %scan3A_137 = arith.constant 200 : i32
      %scan3A_138 = arith.addi %scan3A_136, %scan3A_137 : i32
      %scan3A_139 = arith.constant 1 : i32
      scf.for %scan3A_312 = %scan3A_136 to %scan3A_138 step %scan3A_139  : i32 {
        %mul3A_313 = arith.constant 1 : i32
        %mul3A_314 = arith.muli %scan3A_312, %mul3A_313 : i32
        %add3A_315 = arith.constant 0 : i32
        %add3A_316 = arith.addi %add3A_315, %mul3A_314 : i32
        %get3A = arith.index_cast %add3A_316 : i32 to index
        %get3A_317 = arith.constant 0 : index
        %get3A_318 = tpu.vector_load %arg10[%get3A, %get3A_317] {strides = array<i32>} : memref<200x64xf32, #tpu.memory_space<vmem>>, vector<1x16xf32>,
        %get3A_319 = vector.shape_cast %get3A_318 : vector<1x16xf32> to vector<16xf32>
        %get3A_320 = arith.index_cast %add3A_316 : i32 to index
        %get3A_321 = arith.constant 0 : index
        %get3A_322 = tpu.vector_load %arg6[%get3A_320, %get3A_321] {strides = array<i32>} : memref<200x64xf32, #tpu.memory_space<vmem>>, vector<1x16xf32>,
        %get3A_323 = vector.shape_cast %get3A_322 : vector<1x16xf32> to vector<16xf32>
        %add3A_324 = arith.addf %get3A_319, %get3A_323 : vector<16xf32>
        %get3A_325 = arith.index_cast %add3A_316 : i32 to index
        %get3A_326 = arith.constant 0 : index
        %get3A_327 = tpu.vector_load %arg7[%get3A_325, %get3A_326] {strides = array<i32>} : memref<200x64xf32, #tpu.memory_space<vmem>>, vector<1x16xf32>,
        %get3A_328 = vector.shape_cast %get3A_327 : vector<1x16xf32> to vector<16xf32>
        %add3A_329 = arith.addf %add3A_324, %get3A_328 : vector<16xf32>
        %swap3A = arith.index_cast %add3A_316 : i32 to index
        %swap3A_330 = arith.constant 0 : index
        %swap3A_331 = tpu.vector_load %arg10[%swap3A, %swap3A_330] {strides = array<i32>} : memref<200x64xf32, #tpu.memory_space<vmem>>, vector<1x16xf32>,
        %swap3A_332 = vector.shape_cast %swap3A_331 : vector<1x16xf32> to vector<16xf32>
        %swap3A_333 = vector.shape_cast %add3A_329 : vector<16xf32> to vector<1x16xf32>
        tpu.vector_store %arg10[%swap3A, %swap3A_330], %swap3A_333 {strides = array<i32>} : memref<200x64xf32, #tpu.memory_space<vmem>>, vector<1x16xf32>,
        %get3A_334 = arith.index_cast %add3A_316 : i32 to index
        %get3A_335 = arith.constant 16 : index
        %get3A_336 = tpu.vector_load %arg10[%get3A_334, %get3A_335] {strides = array<i32>} : memref<200x64xf32, #tpu.memory_space<vmem>>, vector<1x16xf32>,
        %get3A_337 = vector.shape_cast %get3A_336 : vector<1x16xf32> to vector<16xf32>
        %get3A_338 = arith.index_cast %add3A_316 : i32 to index
        %get3A_339 = arith.constant 16 : index
        %get3A_340 = tpu.vector_load %arg6[%get3A_338, %get3A_339] {strides = array<i32>} : memref<200x64xf32, #tpu.memory_space<vmem>>, vector<1x16xf32>,
        %get3A_341 = vector.shape_cast %get3A_340 : vector<1x16xf32> to vector<16xf32>
        %add3A_342 = arith.addf %get3A_337, %get3A_341 : vector<16xf32>
        %get3A_343 = arith.index_cast %add3A_316 : i32 to index
        %get3A_344 = arith.constant 16 : index
        %get3A_345 = tpu.vector_load %arg7[%get3A_343, %get3A_344] {strides = array<i32>} : memref<200x64xf32, #tpu.memory_space<vmem>>, vector<1x16xf32>,
        %get3A_346 = vector.shape_cast %get3A_345 : vector<1x16xf32> to vector<16xf32>
        %add3A_347 = arith.addf %add3A_342, %get3A_346 : vector<16xf32>
        %swap3A_348 = arith.index_cast %add3A_316 : i32 to index
        %swap3A_349 = arith.constant 16 : index
        %swap3A_350 = tpu.vector_load %arg10[%swap3A_348, %swap3A_349] {strides = array<i32>} : memref<200x64xf32, #tpu.memory_space<vmem>>, vector<1x16xf32>,
        %swap3A_351 = vector.shape_cast %swap3A_350 : vector<1x16xf32> to vector<16xf32>
        %swap3A_352 = vector.shape_cast %add3A_347 : vector<16xf32> to vector<1x16xf32>
        tpu.vector_store %arg10[%swap3A_348, %swap3A_349], %swap3A_352 {strides = array<i32>} : memref<200x64xf32, #tpu.memory_space<vmem>>, vector<1x16xf32>,
        %get3A_353 = arith.index_cast %add3A_316 : i32 to index
        %get3A_354 = arith.constant 32 : index
        %get3A_355 = tpu.vector_load %arg10[%get3A_353, %get3A_354] {strides = array<i32>} : memref<200x64xf32, #tpu.memory_space<vmem>>, vector<1x16xf32>,
        %get3A_356 = vector.shape_cast %get3A_355 : vector<1x16xf32> to vector<16xf32>
        %get3A_357 = arith.index_cast %add3A_316 : i32 to index
        %get3A_358 = arith.constant 32 : index
        %get3A_359 = tpu.vector_load %arg6[%get3A_357, %get3A_358] {strides = array<i32>} : memref<200x64xf32, #tpu.memory_space<vmem>>, vector<1x16xf32>,
        %get3A_360 = vector.shape_cast %get3A_359 : vector<1x16xf32> to vector<16xf32>
        %add3A_361 = arith.addf %get3A_356, %get3A_360 : vector<16xf32>
        %get3A_362 = arith.index_cast %add3A_316 : i32 to index
        %get3A_363 = arith.constant 32 : index
        %get3A_364 = tpu.vector_load %arg7[%get3A_362, %get3A_363] {strides = array<i32>} : memref<200x64xf32, #tpu.memory_space<vmem>>, vector<1x16xf32>,
        %get3A_365 = vector.shape_cast %get3A_364 : vector<1x16xf32> to vector<16xf32>
        %add3A_366 = arith.addf %add3A_361, %get3A_365 : vector<16xf32>
        %swap3A_367 = arith.index_cast %add3A_316 : i32 to index
        %swap3A_368 = arith.constant 32 : index
        %swap3A_369 = tpu.vector_load %arg10[%swap3A_367, %swap3A_368] {strides = array<i32>} : memref<200x64xf32, #tpu.memory_space<vmem>>, vector<1x16xf32>,
        %swap3A_370 = vector.shape_cast %swap3A_369 : vector<1x16xf32> to vector<16xf32>
        %swap3A_371 = vector.shape_cast %add3A_366 : vector<16xf32> to vector<1x16xf32>
        tpu.vector_store %arg10[%swap3A_367, %swap3A_368], %swap3A_371 {strides = array<i32>} : memref<200x64xf32, #tpu.memory_space<vmem>>, vector<1x16xf32>,
        %get3A_372 = arith.index_cast %add3A_316 : i32 to index
        %get3A_373 = arith.constant 48 : index
        %get3A_374 = tpu.vector_load %arg10[%get3A_372, %get3A_373] {strides = array<i32>} : memref<200x64xf32, #tpu.memory_space<vmem>>, vector<1x16xf32>,
        %get3A_375 = vector.shape_cast %get3A_374 : vector<1x16xf32> to vector<16xf32>
        %get3A_376 = arith.index_cast %add3A_316 : i32 to index
        %get3A_377 = arith.constant 48 : index
        %get3A_378 = tpu.vector_load %arg6[%get3A_376, %get3A_377] {strides = array<i32>} : memref<200x64xf32, #tpu.memory_space<vmem>>, vector<1x16xf32>,
        %get3A_379 = vector.shape_cast %get3A_378 : vector<1x16xf32> to vector<16xf32>
        %add3A_380 = arith.addf %get3A_375, %get3A_379 : vector<16xf32>
        %get3A_381 = arith.index_cast %add3A_316 : i32 to index
        %get3A_382 = arith.constant 48 : index
        %get3A_383 = tpu.vector_load %arg7[%get3A_381, %get3A_382] {strides = array<i32>} : memref<200x64xf32, #tpu.memory_space<vmem>>, vector<1x16xf32>,
        %get3A_384 = vector.shape_cast %get3A_383 : vector<1x16xf32> to vector<16xf32>
        %add3A_385 = arith.addf %add3A_380, %get3A_384 : vector<16xf32>
        %swap3A_386 = arith.index_cast %add3A_316 : i32 to index
        %swap3A_387 = arith.constant 48 : index
        %swap3A_388 = tpu.vector_load %arg10[%swap3A_386, %swap3A_387] {strides = array<i32>} : memref<200x64xf32, #tpu.memory_space<vmem>>, vector<1x16xf32>,
        %swap3A_389 = vector.shape_cast %swap3A_388 : vector<1x16xf32> to vector<16xf32>
        %swap3A_390 = vector.shape_cast %add3A_385 : vector<16xf32> to vector<1x16xf32>
        tpu.vector_store %arg10[%swap3A_386, %swap3A_387], %swap3A_390 {strides = array<i32>} : memref<200x64xf32, #tpu.memory_space<vmem>>, vector<1x16xf32>,
      }
      %scan3A_140 = arith.constant 200 : i32
      %dma_start3A_141 = arith.constant 8 : i32
      %dma_start3A_142 = arith.constant 0 : i32
      %dma_start3A_143 = tpu.memref_slice %arg5[%rem3A_48, %dma_start3A_141, %dma_start3A_142] : memref<2x16x200xi32, #tpu.memory_space<vmem>> -> memref<1x1x200xi32, #tpu.memory_space<vmem>>
      %dma_start3A_144 = tpu.memref_squeeze %dma_start3A_143 : memref<1x1x200xi32, #tpu.memory_space<vmem>> -> memref<200xi32, #tpu.memory_space<vmem>>
      %dma_start3A_145 = arith.constant 0 : i32
      %dma_start3A_146 = arith.constant 0 : i32
      %dma_start3A_147 = tpu.memref_slice %arg3[%dma_start3A_145, %dma_start3A_146] : memref<1000000x64xf32, #tpu.memory_space<hbm>> -> memref<1000000x64xf32, #tpu.memory_space<hbm>>
      tpu.enqueue_indirect_dma source(%dma_start3A_147 : memref<1000000x64xf32, #tpu.memory_space<hbm>>) target(%arg6 : memref<200x64xf32, #tpu.memory_space<vmem>>) offsets(%dma_start3A_144 : memref<200xi32, #tpu.memory_space<vmem>>) semaphore(%arg11 : memref<!tpu.dma_semaphore, #tpu.memory_space<semaphore_mem>>)
      %dma_start3A_148 = arith.constant 9 : i32
      %dma_start3A_149 = arith.constant 0 : i32
      %dma_start3A_150 = tpu.memref_slice %arg5[%rem3A_48, %dma_start3A_148, %dma_start3A_149] : memref<2x16x200xi32, #tpu.memory_space<vmem>> -> memref<1x1x200xi32, #tpu.memory_space<vmem>>
      %dma_start3A_151 = tpu.memref_squeeze %dma_start3A_150 : memref<1x1x200xi32, #tpu.memory_space<vmem>> -> memref<200xi32, #tpu.memory_space<vmem>>
      %dma_start3A_152 = arith.constant 0 : i32
      %dma_start3A_153 = arith.constant 0 : i32
      %dma_start3A_154 = tpu.memref_slice %arg3[%dma_start3A_152, %dma_start3A_153] : memref<1000000x64xf32, #tpu.memory_space<hbm>> -> memref<1000000x64xf32, #tpu.memory_space<hbm>>
      tpu.enqueue_indirect_dma source(%dma_start3A_154 : memref<1000000x64xf32, #tpu.memory_space<hbm>>) target(%arg7 : memref<200x64xf32, #tpu.memory_space<vmem>>) offsets(%dma_start3A_151 : memref<200xi32, #tpu.memory_space<vmem>>) semaphore(%arg12 : memref<!tpu.dma_semaphore, #tpu.memory_space<semaphore_mem>>)
      %dma_wait3A_155 = arith.constant 0 : i32
      %dma_wait3A_156 = arith.constant 0 : i32
      %dma_wait3A_157 = arith.constant 0 : i32
      %dma_wait3A_158 = tpu.memref_slice %arg5[%dma_wait3A_155, %dma_wait3A_156, %dma_wait3A_157] : memref<2x16x200xi32, #tpu.memory_space<vmem>> -> memref<1x1x200xi32, #tpu.memory_space<vmem>>
      %dma_wait3A_159 = tpu.memref_squeeze %dma_wait3A_158 : memref<1x1x200xi32, #tpu.memory_space<vmem>> -> memref<200xi32, #tpu.memory_space<vmem>>
      %dma_wait3A_160 = arith.constant 0 : i32
      %dma_wait3A_161 = arith.constant 0 : i32
      %dma_wait3A_162 = tpu.memref_slice %arg3[%dma_wait3A_160, %dma_wait3A_161] : memref<1000000x64xf32, #tpu.memory_space<hbm>> -> memref<1000000x64xf32, #tpu.memory_space<hbm>>
      tpu.wait_indirect_dma semaphore(%arg13 : memref<!tpu.dma_semaphore, #tpu.memory_space<semaphore_mem>>) src(%dma_wait3A_162 : memref<1000000x64xf32, #tpu.memory_space<hbm>>) dst(%arg8 : memref<200x64xf32, #tpu.memory_space<vmem>>)
      %dma_wait3A_163 = arith.constant 0 : i32
      %dma_wait3A_164 = arith.constant 0 : i32
      %dma_wait3A_165 = arith.constant 0 : i32
      %dma_wait3A_166 = tpu.memref_slice %arg5[%dma_wait3A_163, %dma_wait3A_164, %dma_wait3A_165] : memref<2x16x200xi32, #tpu.memory_space<vmem>> -> memref<1x1x200xi32, #tpu.memory_space<vmem>>
      %dma_wait3A_167 = tpu.memref_squeeze %dma_wait3A_166 : memref<1x1x200xi32, #tpu.memory_space<vmem>> -> memref<200xi32, #tpu.memory_space<vmem>>
      %dma_wait3A_168 = arith.constant 0 : i32
      %dma_wait3A_169 = arith.constant 0 : i32
      %dma_wait3A_170 = tpu.memref_slice %arg3[%dma_wait3A_168, %dma_wait3A_169] : memref<1000000x64xf32, #tpu.memory_space<hbm>> -> memref<1000000x64xf32, #tpu.memory_space<hbm>>
      tpu.wait_indirect_dma semaphore(%arg14 : memref<!tpu.dma_semaphore, #tpu.memory_space<semaphore_mem>>) src(%dma_wait3A_170 : memref<1000000x64xf32, #tpu.memory_space<hbm>>) dst(%arg9 : memref<200x64xf32, #tpu.memory_space<vmem>>)
      %scan3A_171 = arith.constant 0 : i32
      %scan3A_172 = arith.constant 200 : i32
      %scan3A_173 = arith.addi %scan3A_171, %scan3A_172 : i32
      %scan3A_174 = arith.constant 1 : i32
      scf.for %scan3A_312 = %scan3A_171 to %scan3A_173 step %scan3A_174  : i32 {
        %mul3A_313 = arith.constant 1 : i32
        %mul3A_314 = arith.muli %scan3A_312, %mul3A_313 : i32
        %add3A_315 = arith.constant 0 : i32
        %add3A_316 = arith.addi %add3A_315, %mul3A_314 : i32
        %get3A = arith.index_cast %add3A_316 : i32 to index
        %get3A_317 = arith.constant 0 : index
        %get3A_318 = tpu.vector_load %arg10[%get3A, %get3A_317] {strides = array<i32>} : memref<200x64xf32, #tpu.memory_space<vmem>>, vector<1x16xf32>,
        %get3A_319 = vector.shape_cast %get3A_318 : vector<1x16xf32> to vector<16xf32>
        %get3A_320 = arith.index_cast %add3A_316 : i32 to index
        %get3A_321 = arith.constant 0 : index
        %get3A_322 = tpu.vector_load %arg8[%get3A_320, %get3A_321] {strides = array<i32>} : memref<200x64xf32, #tpu.memory_space<vmem>>, vector<1x16xf32>,
        %get3A_323 = vector.shape_cast %get3A_322 : vector<1x16xf32> to vector<16xf32>
        %add3A_324 = arith.addf %get3A_319, %get3A_323 : vector<16xf32>
        %get3A_325 = arith.index_cast %add3A_316 : i32 to index
        %get3A_326 = arith.constant 0 : index
        %get3A_327 = tpu.vector_load %arg9[%get3A_325, %get3A_326] {strides = array<i32>} : memref<200x64xf32, #tpu.memory_space<vmem>>, vector<1x16xf32>,
        %get3A_328 = vector.shape_cast %get3A_327 : vector<1x16xf32> to vector<16xf32>
        %add3A_329 = arith.addf %add3A_324, %get3A_328 : vector<16xf32>
        %swap3A = arith.index_cast %add3A_316 : i32 to index
        %swap3A_330 = arith.constant 0 : index
        %swap3A_331 = tpu.vector_load %arg10[%swap3A, %swap3A_330] {strides = array<i32>} : memref<200x64xf32, #tpu.memory_space<vmem>>, vector<1x16xf32>,
        %swap3A_332 = vector.shape_cast %swap3A_331 : vector<1x16xf32> to vector<16xf32>
        %swap3A_333 = vector.shape_cast %add3A_329 : vector<16xf32> to vector<1x16xf32>
        tpu.vector_store %arg10[%swap3A, %swap3A_330], %swap3A_333 {strides = array<i32>} : memref<200x64xf32, #tpu.memory_space<vmem>>, vector<1x16xf32>,
        %get3A_334 = arith.index_cast %add3A_316 : i32 to index
        %get3A_335 = arith.constant 16 : index
        %get3A_336 = tpu.vector_load %arg10[%get3A_334, %get3A_335] {strides = array<i32>} : memref<200x64xf32, #tpu.memory_space<vmem>>, vector<1x16xf32>,
        %get3A_337 = vector.shape_cast %get3A_336 : vector<1x16xf32> to vector<16xf32>
        %get3A_338 = arith.index_cast %add3A_316 : i32 to index
        %get3A_339 = arith.constant 16 : index
        %get3A_340 = tpu.vector_load %arg8[%get3A_338, %get3A_339] {strides = array<i32>} : memref<200x64xf32, #tpu.memory_space<vmem>>, vector<1x16xf32>,
        %get3A_341 = vector.shape_cast %get3A_340 : vector<1x16xf32> to vector<16xf32>
        %add3A_342 = arith.addf %get3A_337, %get3A_341 : vector<16xf32>
        %get3A_343 = arith.index_cast %add3A_316 : i32 to index
        %get3A_344 = arith.constant 16 : index
        %get3A_345 = tpu.vector_load %arg9[%get3A_343, %get3A_344] {strides = array<i32>} : memref<200x64xf32, #tpu.memory_space<vmem>>, vector<1x16xf32>,
        %get3A_346 = vector.shape_cast %get3A_345 : vector<1x16xf32> to vector<16xf32>
        %add3A_347 = arith.addf %add3A_342, %get3A_346 : vector<16xf32>
        %swap3A_348 = arith.index_cast %add3A_316 : i32 to index
        %swap3A_349 = arith.constant 16 : index
        %swap3A_350 = tpu.vector_load %arg10[%swap3A_348, %swap3A_349] {strides = array<i32>} : memref<200x64xf32, #tpu.memory_space<vmem>>, vector<1x16xf32>,
        %swap3A_351 = vector.shape_cast %swap3A_350 : vector<1x16xf32> to vector<16xf32>
        %swap3A_352 = vector.shape_cast %add3A_347 : vector<16xf32> to vector<1x16xf32>
        tpu.vector_store %arg10[%swap3A_348, %swap3A_349], %swap3A_352 {strides = array<i32>} : memref<200x64xf32, #tpu.memory_space<vmem>>, vector<1x16xf32>,
        %get3A_353 = arith.index_cast %add3A_316 : i32 to index
        %get3A_354 = arith.constant 32 : index
        %get3A_355 = tpu.vector_load %arg10[%get3A_353, %get3A_354] {strides = array<i32>} : memref<200x64xf32, #tpu.memory_space<vmem>>, vector<1x16xf32>,
        %get3A_356 = vector.shape_cast %get3A_355 : vector<1x16xf32> to vector<16xf32>
        %get3A_357 = arith.index_cast %add3A_316 : i32 to index
        %get3A_358 = arith.constant 32 : index
        %get3A_359 = tpu.vector_load %arg8[%get3A_357, %get3A_358] {strides = array<i32>} : memref<200x64xf32, #tpu.memory_space<vmem>>, vector<1x16xf32>,
        %get3A_360 = vector.shape_cast %get3A_359 : vector<1x16xf32> to vector<16xf32>
        %add3A_361 = arith.addf %get3A_356, %get3A_360 : vector<16xf32>
        %get3A_362 = arith.index_cast %add3A_316 : i32 to index
        %get3A_363 = arith.constant 32 : index
        %get3A_364 = tpu.vector_load %arg9[%get3A_362, %get3A_363] {strides = array<i32>} : memref<200x64xf32, #tpu.memory_space<vmem>>, vector<1x16xf32>,
        %get3A_365 = vector.shape_cast %get3A_364 : vector<1x16xf32> to vector<16xf32>
        %add3A_366 = arith.addf %add3A_361, %get3A_365 : vector<16xf32>
        %swap3A_367 = arith.index_cast %add3A_316 : i32 to index
        %swap3A_368 = arith.constant 32 : index
        %swap3A_369 = tpu.vector_load %arg10[%swap3A_367, %swap3A_368] {strides = array<i32>} : memref<200x64xf32, #tpu.memory_space<vmem>>, vector<1x16xf32>,
        %swap3A_370 = vector.shape_cast %swap3A_369 : vector<1x16xf32> to vector<16xf32>
        %swap3A_371 = vector.shape_cast %add3A_366 : vector<16xf32> to vector<1x16xf32>
        tpu.vector_store %arg10[%swap3A_367, %swap3A_368], %swap3A_371 {strides = array<i32>} : memref<200x64xf32, #tpu.memory_space<vmem>>, vector<1x16xf32>,
        %get3A_372 = arith.index_cast %add3A_316 : i32 to index
        %get3A_373 = arith.constant 48 : index
        %get3A_374 = tpu.vector_load %arg10[%get3A_372, %get3A_373] {strides = array<i32>} : memref<200x64xf32, #tpu.memory_space<vmem>>, vector<1x16xf32>,
        %get3A_375 = vector.shape_cast %get3A_374 : vector<1x16xf32> to vector<16xf32>
        %get3A_376 = arith.index_cast %add3A_316 : i32 to index
        %get3A_377 = arith.constant 48 : index
        %get3A_378 = tpu.vector_load %arg8[%get3A_376, %get3A_377] {strides = array<i32>} : memref<200x64xf32, #tpu.memory_space<vmem>>, vector<1x16xf32>,
        %get3A_379 = vector.shape_cast %get3A_378 : vector<1x16xf32> to vector<16xf32>
        %add3A_380 = arith.addf %get3A_375, %get3A_379 : vector<16xf32>
        %get3A_381 = arith.index_cast %add3A_316 : i32 to index
        %get3A_382 = arith.constant 48 : index
        %get3A_383 = tpu.vector_load %arg9[%get3A_381, %get3A_382] {strides = array<i32>} : memref<200x64xf32, #tpu.memory_space<vmem>>, vector<1x16xf32>,
        %get3A_384 = vector.shape_cast %get3A_383 : vector<1x16xf32> to vector<16xf32>
        %add3A_385 = arith.addf %add3A_380, %get3A_384 : vector<16xf32>
        %swap3A_386 = arith.index_cast %add3A_316 : i32 to index
        %swap3A_387 = arith.constant 48 : index
        %swap3A_388 = tpu.vector_load %arg10[%swap3A_386, %swap3A_387] {strides = array<i32>} : memref<200x64xf32, #tpu.memory_space<vmem>>, vector<1x16xf32>,
        %swap3A_389 = vector.shape_cast %swap3A_388 : vector<1x16xf32> to vector<16xf32>
        %swap3A_390 = vector.shape_cast %add3A_385 : vector<16xf32> to vector<1x16xf32>
        tpu.vector_store %arg10[%swap3A_386, %swap3A_387], %swap3A_390 {strides = array<i32>} : memref<200x64xf32, #tpu.memory_space<vmem>>, vector<1x16xf32>,
      }
      %scan3A_175 = arith.constant 200 : i32
      %dma_start3A_176 = arith.constant 10 : i32
      %dma_start3A_177 = arith.constant 0 : i32
      %dma_start3A_178 = tpu.memref_slice %arg5[%rem3A_48, %dma_start3A_176, %dma_start3A_177] : memref<2x16x200xi32, #tpu.memory_space<vmem>> -> memref<1x1x200xi32, #tpu.memory_space<vmem>>
      %dma_start3A_179 = tpu.memref_squeeze %dma_start3A_178 : memref<1x1x200xi32, #tpu.memory_space<vmem>> -> memref<200xi32, #tpu.memory_space<vmem>>
      %dma_start3A_180 = arith.constant 0 : i32
      %dma_start3A_181 = arith.constant 0 : i32
      %dma_start3A_182 = tpu.memref_slice %arg3[%dma_start3A_180, %dma_start3A_181] : memref<1000000x64xf32, #tpu.memory_space<hbm>> -> memref<1000000x64xf32, #tpu.memory_space<hbm>>
      tpu.enqueue_indirect_dma source(%dma_start3A_182 : memref<1000000x64xf32, #tpu.memory_space<hbm>>) target(%arg8 : memref<200x64xf32, #tpu.memory_space<vmem>>) offsets(%dma_start3A_179 : memref<200xi32, #tpu.memory_space<vmem>>) semaphore(%arg13 : memref<!tpu.dma_semaphore, #tpu.memory_space<semaphore_mem>>)
      %dma_start3A_183 = arith.constant 11 : i32
      %dma_start3A_184 = arith.constant 0 : i32
      %dma_start3A_185 = tpu.memref_slice %arg5[%rem3A_48, %dma_start3A_183, %dma_start3A_184] : memref<2x16x200xi32, #tpu.memory_space<vmem>> -> memref<1x1x200xi32, #tpu.memory_space<vmem>>
      %dma_start3A_186 = tpu.memref_squeeze %dma_start3A_185 : memref<1x1x200xi32, #tpu.memory_space<vmem>> -> memref<200xi32, #tpu.memory_space<vmem>>
      %dma_start3A_187 = arith.constant 0 : i32
      %dma_start3A_188 = arith.constant 0 : i32
      %dma_start3A_189 = tpu.memref_slice %arg3[%dma_start3A_187, %dma_start3A_188] : memref<1000000x64xf32, #tpu.memory_space<hbm>> -> memref<1000000x64xf32, #tpu.memory_space<hbm>>
      tpu.enqueue_indirect_dma source(%dma_start3A_189 : memref<1000000x64xf32, #tpu.memory_space<hbm>>) target(%arg9 : memref<200x64xf32, #tpu.memory_space<vmem>>) offsets(%dma_start3A_186 : memref<200xi32, #tpu.memory_space<vmem>>) semaphore(%arg14 : memref<!tpu.dma_semaphore, #tpu.memory_space<semaphore_mem>>)
      %dma_wait3A_190 = arith.constant 0 : i32
      %dma_wait3A_191 = arith.constant 0 : i32
      %dma_wait3A_192 = arith.constant 0 : i32
      %dma_wait3A_193 = tpu.memref_slice %arg5[%dma_wait3A_190, %dma_wait3A_191, %dma_wait3A_192] : memref<2x16x200xi32, #tpu.memory_space<vmem>> -> memref<1x1x200xi32, #tpu.memory_space<vmem>>
      %dma_wait3A_194 = tpu.memref_squeeze %dma_wait3A_193 : memref<1x1x200xi32, #tpu.memory_space<vmem>> -> memref<200xi32, #tpu.memory_space<vmem>>
      %dma_wait3A_195 = arith.constant 0 : i32
      %dma_wait3A_196 = arith.constant 0 : i32
      %dma_wait3A_197 = tpu.memref_slice %arg3[%dma_wait3A_195, %dma_wait3A_196] : memref<1000000x64xf32, #tpu.memory_space<hbm>> -> memref<1000000x64xf32, #tpu.memory_space<hbm>>
      tpu.wait_indirect_dma semaphore(%arg11 : memref<!tpu.dma_semaphore, #tpu.memory_space<semaphore_mem>>) src(%dma_wait3A_197 : memref<1000000x64xf32, #tpu.memory_space<hbm>>) dst(%arg6 : memref<200x64xf32, #tpu.memory_space<vmem>>)
      %dma_wait3A_198 = arith.constant 0 : i32
      %dma_wait3A_199 = arith.constant 0 : i32
      %dma_wait3A_200 = arith.constant 0 : i32
      %dma_wait3A_201 = tpu.memref_slice %arg5[%dma_wait3A_198, %dma_wait3A_199, %dma_wait3A_200] : memref<2x16x200xi32, #tpu.memory_space<vmem>> -> memref<1x1x200xi32, #tpu.memory_space<vmem>>
      %dma_wait3A_202 = tpu.memref_squeeze %dma_wait3A_201 : memref<1x1x200xi32, #tpu.memory_space<vmem>> -> memref<200xi32, #tpu.memory_space<vmem>>
      %dma_wait3A_203 = arith.constant 0 : i32
      %dma_wait3A_204 = arith.constant 0 : i32
      %dma_wait3A_205 = tpu.memref_slice %arg3[%dma_wait3A_203, %dma_wait3A_204] : memref<1000000x64xf32, #tpu.memory_space<hbm>> -> memref<1000000x64xf32, #tpu.memory_space<hbm>>
      tpu.wait_indirect_dma semaphore(%arg12 : memref<!tpu.dma_semaphore, #tpu.memory_space<semaphore_mem>>) src(%dma_wait3A_205 : memref<1000000x64xf32, #tpu.memory_space<hbm>>) dst(%arg7 : memref<200x64xf32, #tpu.memory_space<vmem>>)
      %scan3A_206 = arith.constant 0 : i32
      %scan3A_207 = arith.constant 200 : i32
      %scan3A_208 = arith.addi %scan3A_206, %scan3A_207 : i32
      %scan3A_209 = arith.constant 1 : i32
      scf.for %scan3A_312 = %scan3A_206 to %scan3A_208 step %scan3A_209  : i32 {
        %mul3A_313 = arith.constant 1 : i32
        %mul3A_314 = arith.muli %scan3A_312, %mul3A_313 : i32
        %add3A_315 = arith.constant 0 : i32
        %add3A_316 = arith.addi %add3A_315, %mul3A_314 : i32
        %get3A = arith.index_cast %add3A_316 : i32 to index
        %get3A_317 = arith.constant 0 : index
        %get3A_318 = tpu.vector_load %arg10[%get3A, %get3A_317] {strides = array<i32>} : memref<200x64xf32, #tpu.memory_space<vmem>>, vector<1x16xf32>,
        %get3A_319 = vector.shape_cast %get3A_318 : vector<1x16xf32> to vector<16xf32>
        %get3A_320 = arith.index_cast %add3A_316 : i32 to index
        %get3A_321 = arith.constant 0 : index
        %get3A_322 = tpu.vector_load %arg6[%get3A_320, %get3A_321] {strides = array<i32>} : memref<200x64xf32, #tpu.memory_space<vmem>>, vector<1x16xf32>,
        %get3A_323 = vector.shape_cast %get3A_322 : vector<1x16xf32> to vector<16xf32>
        %add3A_324 = arith.addf %get3A_319, %get3A_323 : vector<16xf32>
        %get3A_325 = arith.index_cast %add3A_316 : i32 to index
        %get3A_326 = arith.constant 0 : index
        %get3A_327 = tpu.vector_load %arg7[%get3A_325, %get3A_326] {strides = array<i32>} : memref<200x64xf32, #tpu.memory_space<vmem>>, vector<1x16xf32>,
        %get3A_328 = vector.shape_cast %get3A_327 : vector<1x16xf32> to vector<16xf32>
        %add3A_329 = arith.addf %add3A_324, %get3A_328 : vector<16xf32>
        %swap3A = arith.index_cast %add3A_316 : i32 to index
        %swap3A_330 = arith.constant 0 : index
        %swap3A_331 = tpu.vector_load %arg10[%swap3A, %swap3A_330] {strides = array<i32>} : memref<200x64xf32, #tpu.memory_space<vmem>>, vector<1x16xf32>,
        %swap3A_332 = vector.shape_cast %swap3A_331 : vector<1x16xf32> to vector<16xf32>
        %swap3A_333 = vector.shape_cast %add3A_329 : vector<16xf32> to vector<1x16xf32>
        tpu.vector_store %arg10[%swap3A, %swap3A_330], %swap3A_333 {strides = array<i32>} : memref<200x64xf32, #tpu.memory_space<vmem>>, vector<1x16xf32>,
        %get3A_334 = arith.index_cast %add3A_316 : i32 to index
        %get3A_335 = arith.constant 16 : index
        %get3A_336 = tpu.vector_load %arg10[%get3A_334, %get3A_335] {strides = array<i32>} : memref<200x64xf32, #tpu.memory_space<vmem>>, vector<1x16xf32>,
        %get3A_337 = vector.shape_cast %get3A_336 : vector<1x16xf32> to vector<16xf32>
        %get3A_338 = arith.index_cast %add3A_316 : i32 to index
        %get3A_339 = arith.constant 16 : index
        %get3A_340 = tpu.vector_load %arg6[%get3A_338, %get3A_339] {strides = array<i32>} : memref<200x64xf32, #tpu.memory_space<vmem>>, vector<1x16xf32>,
        %get3A_341 = vector.shape_cast %get3A_340 : vector<1x16xf32> to vector<16xf32>
        %add3A_342 = arith.addf %get3A_337, %get3A_341 : vector<16xf32>
        %get3A_343 = arith.index_cast %add3A_316 : i32 to index
        %get3A_344 = arith.constant 16 : index
        %get3A_345 = tpu.vector_load %arg7[%get3A_343, %get3A_344] {strides = array<i32>} : memref<200x64xf32, #tpu.memory_space<vmem>>, vector<1x16xf32>,
        %get3A_346 = vector.shape_cast %get3A_345 : vector<1x16xf32> to vector<16xf32>
        %add3A_347 = arith.addf %add3A_342, %get3A_346 : vector<16xf32>
        %swap3A_348 = arith.index_cast %add3A_316 : i32 to index
        %swap3A_349 = arith.constant 16 : index
        %swap3A_350 = tpu.vector_load %arg10[%swap3A_348, %swap3A_349] {strides = array<i32>} : memref<200x64xf32, #tpu.memory_space<vmem>>, vector<1x16xf32>,
        %swap3A_351 = vector.shape_cast %swap3A_350 : vector<1x16xf32> to vector<16xf32>
        %swap3A_352 = vector.shape_cast %add3A_347 : vector<16xf32> to vector<1x16xf32>
        tpu.vector_store %arg10[%swap3A_348, %swap3A_349], %swap3A_352 {strides = array<i32>} : memref<200x64xf32, #tpu.memory_space<vmem>>, vector<1x16xf32>,
        %get3A_353 = arith.index_cast %add3A_316 : i32 to index
        %get3A_354 = arith.constant 32 : index
        %get3A_355 = tpu.vector_load %arg10[%get3A_353, %get3A_354] {strides = array<i32>} : memref<200x64xf32, #tpu.memory_space<vmem>>, vector<1x16xf32>,
        %get3A_356 = vector.shape_cast %get3A_355 : vector<1x16xf32> to vector<16xf32>
        %get3A_357 = arith.index_cast %add3A_316 : i32 to index
        %get3A_358 = arith.constant 32 : index
        %get3A_359 = tpu.vector_load %arg6[%get3A_357, %get3A_358] {strides = array<i32>} : memref<200x64xf32, #tpu.memory_space<vmem>>, vector<1x16xf32>,
        %get3A_360 = vector.shape_cast %get3A_359 : vector<1x16xf32> to vector<16xf32>
        %add3A_361 = arith.addf %get3A_356, %get3A_360 : vector<16xf32>
        %get3A_362 = arith.index_cast %add3A_316 : i32 to index
        %get3A_363 = arith.constant 32 : index
        %get3A_364 = tpu.vector_load %arg7[%get3A_362, %get3A_363] {strides = array<i32>} : memref<200x64xf32, #tpu.memory_space<vmem>>, vector<1x16xf32>,
        %get3A_365 = vector.shape_cast %get3A_364 : vector<1x16xf32> to vector<16xf32>
        %add3A_366 = arith.addf %add3A_361, %get3A_365 : vector<16xf32>
        %swap3A_367 = arith.index_cast %add3A_316 : i32 to index
        %swap3A_368 = arith.constant 32 : index
        %swap3A_369 = tpu.vector_load %arg10[%swap3A_367, %swap3A_368] {strides = array<i32>} : memref<200x64xf32, #tpu.memory_space<vmem>>, vector<1x16xf32>,
        %swap3A_370 = vector.shape_cast %swap3A_369 : vector<1x16xf32> to vector<16xf32>
        %swap3A_371 = vector.shape_cast %add3A_366 : vector<16xf32> to vector<1x16xf32>
        tpu.vector_store %arg10[%swap3A_367, %swap3A_368], %swap3A_371 {strides = array<i32>} : memref<200x64xf32, #tpu.memory_space<vmem>>, vector<1x16xf32>,
        %get3A_372 = arith.index_cast %add3A_316 : i32 to index
        %get3A_373 = arith.constant 48 : index
        %get3A_374 = tpu.vector_load %arg10[%get3A_372, %get3A_373] {strides = array<i32>} : memref<200x64xf32, #tpu.memory_space<vmem>>, vector<1x16xf32>,
        %get3A_375 = vector.shape_cast %get3A_374 : vector<1x16xf32> to vector<16xf32>
        %get3A_376 = arith.index_cast %add3A_316 : i32 to index
        %get3A_377 = arith.constant 48 : index
        %get3A_378 = tpu.vector_load %arg6[%get3A_376, %get3A_377] {strides = array<i32>} : memref<200x64xf32, #tpu.memory_space<vmem>>, vector<1x16xf32>,
        %get3A_379 = vector.shape_cast %get3A_378 : vector<1x16xf32> to vector<16xf32>
        %add3A_380 = arith.addf %get3A_375, %get3A_379 : vector<16xf32>
        %get3A_381 = arith.index_cast %add3A_316 : i32 to index
        %get3A_382 = arith.constant 48 : index
        %get3A_383 = tpu.vector_load %arg7[%get3A_381, %get3A_382] {strides = array<i32>} : memref<200x64xf32, #tpu.memory_space<vmem>>, vector<1x16xf32>,
        %get3A_384 = vector.shape_cast %get3A_383 : vector<1x16xf32> to vector<16xf32>
        %add3A_385 = arith.addf %add3A_380, %get3A_384 : vector<16xf32>
        %swap3A_386 = arith.index_cast %add3A_316 : i32 to index
        %swap3A_387 = arith.constant 48 : index
        %swap3A_388 = tpu.vector_load %arg10[%swap3A_386, %swap3A_387] {strides = array<i32>} : memref<200x64xf32, #tpu.memory_space<vmem>>, vector<1x16xf32>,
        %swap3A_389 = vector.shape_cast %swap3A_388 : vector<1x16xf32> to vector<16xf32>
        %swap3A_390 = vector.shape_cast %add3A_385 : vector<16xf32> to vector<1x16xf32>
        tpu.vector_store %arg10[%swap3A_386, %swap3A_387], %swap3A_390 {strides = array<i32>} : memref<200x64xf32, #tpu.memory_space<vmem>>, vector<1x16xf32>,
      }
      %scan3A_210 = arith.constant 200 : i32
      %dma_start3A_211 = arith.constant 12 : i32
      %dma_start3A_212 = arith.constant 0 : i32
      %dma_start3A_213 = tpu.memref_slice %arg5[%rem3A_48, %dma_start3A_211, %dma_start3A_212] : memref<2x16x200xi32, #tpu.memory_space<vmem>> -> memref<1x1x200xi32, #tpu.memory_space<vmem>>
      %dma_start3A_214 = tpu.memref_squeeze %dma_start3A_213 : memref<1x1x200xi32, #tpu.memory_space<vmem>> -> memref<200xi32, #tpu.memory_space<vmem>>
      %dma_start3A_215 = arith.constant 0 : i32
      %dma_start3A_216 = arith.constant 0 : i32
      %dma_start3A_217 = tpu.memref_slice %arg3[%dma_start3A_215, %dma_start3A_216] : memref<1000000x64xf32, #tpu.memory_space<hbm>> -> memref<1000000x64xf32, #tpu.memory_space<hbm>>
      tpu.enqueue_indirect_dma source(%dma_start3A_217 : memref<1000000x64xf32, #tpu.memory_space<hbm>>) target(%arg6 : memref<200x64xf32, #tpu.memory_space<vmem>>) offsets(%dma_start3A_214 : memref<200xi32, #tpu.memory_space<vmem>>) semaphore(%arg11 : memref<!tpu.dma_semaphore, #tpu.memory_space<semaphore_mem>>)
      %dma_start3A_218 = arith.constant 13 : i32
      %dma_start3A_219 = arith.constant 0 : i32
      %dma_start3A_220 = tpu.memref_slice %arg5[%rem3A_48, %dma_start3A_218, %dma_start3A_219] : memref<2x16x200xi32, #tpu.memory_space<vmem>> -> memref<1x1x200xi32, #tpu.memory_space<vmem>>
      %dma_start3A_221 = tpu.memref_squeeze %dma_start3A_220 : memref<1x1x200xi32, #tpu.memory_space<vmem>> -> memref<200xi32, #tpu.memory_space<vmem>>
      %dma_start3A_222 = arith.constant 0 : i32
      %dma_start3A_223 = arith.constant 0 : i32
      %dma_start3A_224 = tpu.memref_slice %arg3[%dma_start3A_222, %dma_start3A_223] : memref<1000000x64xf32, #tpu.memory_space<hbm>> -> memref<1000000x64xf32, #tpu.memory_space<hbm>>
      tpu.enqueue_indirect_dma source(%dma_start3A_224 : memref<1000000x64xf32, #tpu.memory_space<hbm>>) target(%arg7 : memref<200x64xf32, #tpu.memory_space<vmem>>) offsets(%dma_start3A_221 : memref<200xi32, #tpu.memory_space<vmem>>) semaphore(%arg12 : memref<!tpu.dma_semaphore, #tpu.memory_space<semaphore_mem>>)
      %dma_wait3A_225 = arith.constant 0 : i32
      %dma_wait3A_226 = arith.constant 0 : i32
      %dma_wait3A_227 = arith.constant 0 : i32
      %dma_wait3A_228 = tpu.memref_slice %arg5[%dma_wait3A_225, %dma_wait3A_226, %dma_wait3A_227] : memref<2x16x200xi32, #tpu.memory_space<vmem>> -> memref<1x1x200xi32, #tpu.memory_space<vmem>>
      %dma_wait3A_229 = tpu.memref_squeeze %dma_wait3A_228 : memref<1x1x200xi32, #tpu.memory_space<vmem>> -> memref<200xi32, #tpu.memory_space<vmem>>
      %dma_wait3A_230 = arith.constant 0 : i32
      %dma_wait3A_231 = arith.constant 0 : i32
      %dma_wait3A_232 = tpu.memref_slice %arg3[%dma_wait3A_230, %dma_wait3A_231] : memref<1000000x64xf32, #tpu.memory_space<hbm>> -> memref<1000000x64xf32, #tpu.memory_space<hbm>>
      tpu.wait_indirect_dma semaphore(%arg13 : memref<!tpu.dma_semaphore, #tpu.memory_space<semaphore_mem>>) src(%dma_wait3A_232 : memref<1000000x64xf32, #tpu.memory_space<hbm>>) dst(%arg8 : memref<200x64xf32, #tpu.memory_space<vmem>>)
      %dma_wait3A_233 = arith.constant 0 : i32
      %dma_wait3A_234 = arith.constant 0 : i32
      %dma_wait3A_235 = arith.constant 0 : i32
      %dma_wait3A_236 = tpu.memref_slice %arg5[%dma_wait3A_233, %dma_wait3A_234, %dma_wait3A_235] : memref<2x16x200xi32, #tpu.memory_space<vmem>> -> memref<1x1x200xi32, #tpu.memory_space<vmem>>
      %dma_wait3A_237 = tpu.memref_squeeze %dma_wait3A_236 : memref<1x1x200xi32, #tpu.memory_space<vmem>> -> memref<200xi32, #tpu.memory_space<vmem>>
      %dma_wait3A_238 = arith.constant 0 : i32
      %dma_wait3A_239 = arith.constant 0 : i32
      %dma_wait3A_240 = tpu.memref_slice %arg3[%dma_wait3A_238, %dma_wait3A_239] : memref<1000000x64xf32, #tpu.memory_space<hbm>> -> memref<1000000x64xf32, #tpu.memory_space<hbm>>
      tpu.wait_indirect_dma semaphore(%arg14 : memref<!tpu.dma_semaphore, #tpu.memory_space<semaphore_mem>>) src(%dma_wait3A_240 : memref<1000000x64xf32, #tpu.memory_space<hbm>>) dst(%arg9 : memref<200x64xf32, #tpu.memory_space<vmem>>)
      %scan3A_241 = arith.constant 0 : i32
      %scan3A_242 = arith.constant 200 : i32
      %scan3A_243 = arith.addi %scan3A_241, %scan3A_242 : i32
      %scan3A_244 = arith.constant 1 : i32
      scf.for %scan3A_312 = %scan3A_241 to %scan3A_243 step %scan3A_244  : i32 {
        %mul3A_313 = arith.constant 1 : i32
        %mul3A_314 = arith.muli %scan3A_312, %mul3A_313 : i32
        %add3A_315 = arith.constant 0 : i32
        %add3A_316 = arith.addi %add3A_315, %mul3A_314 : i32
        %get3A = arith.index_cast %add3A_316 : i32 to index
        %get3A_317 = arith.constant 0 : index
        %get3A_318 = tpu.vector_load %arg10[%get3A, %get3A_317] {strides = array<i32>} : memref<200x64xf32, #tpu.memory_space<vmem>>, vector<1x16xf32>,
        %get3A_319 = vector.shape_cast %get3A_318 : vector<1x16xf32> to vector<16xf32>
        %get3A_320 = arith.index_cast %add3A_316 : i32 to index
        %get3A_321 = arith.constant 0 : index
        %get3A_322 = tpu.vector_load %arg8[%get3A_320, %get3A_321] {strides = array<i32>} : memref<200x64xf32, #tpu.memory_space<vmem>>, vector<1x16xf32>,
        %get3A_323 = vector.shape_cast %get3A_322 : vector<1x16xf32> to vector<16xf32>
        %add3A_324 = arith.addf %get3A_319, %get3A_323 : vector<16xf32>
        %get3A_325 = arith.index_cast %add3A_316 : i32 to index
        %get3A_326 = arith.constant 0 : index
        %get3A_327 = tpu.vector_load %arg9[%get3A_325, %get3A_326] {strides = array<i32>} : memref<200x64xf32, #tpu.memory_space<vmem>>, vector<1x16xf32>,
        %get3A_328 = vector.shape_cast %get3A_327 : vector<1x16xf32> to vector<16xf32>
        %add3A_329 = arith.addf %add3A_324, %get3A_328 : vector<16xf32>
        %swap3A = arith.index_cast %add3A_316 : i32 to index
        %swap3A_330 = arith.constant 0 : index
        %swap3A_331 = tpu.vector_load %arg10[%swap3A, %swap3A_330] {strides = array<i32>} : memref<200x64xf32, #tpu.memory_space<vmem>>, vector<1x16xf32>,
        %swap3A_332 = vector.shape_cast %swap3A_331 : vector<1x16xf32> to vector<16xf32>
        %swap3A_333 = vector.shape_cast %add3A_329 : vector<16xf32> to vector<1x16xf32>
        tpu.vector_store %arg10[%swap3A, %swap3A_330], %swap3A_333 {strides = array<i32>} : memref<200x64xf32, #tpu.memory_space<vmem>>, vector<1x16xf32>,
        %get3A_334 = arith.index_cast %add3A_316 : i32 to index
        %get3A_335 = arith.constant 16 : index
        %get3A_336 = tpu.vector_load %arg10[%get3A_334, %get3A_335] {strides = array<i32>} : memref<200x64xf32, #tpu.memory_space<vmem>>, vector<1x16xf32>,
        %get3A_337 = vector.shape_cast %get3A_336 : vector<1x16xf32> to vector<16xf32>
        %get3A_338 = arith.index_cast %add3A_316 : i32 to index
        %get3A_339 = arith.constant 16 : index
        %get3A_340 = tpu.vector_load %arg8[%get3A_338, %get3A_339] {strides = array<i32>} : memref<200x64xf32, #tpu.memory_space<vmem>>, vector<1x16xf32>,
        %get3A_341 = vector.shape_cast %get3A_340 : vector<1x16xf32> to vector<16xf32>
        %add3A_342 = arith.addf %get3A_337, %get3A_341 : vector<16xf32>
        %get3A_343 = arith.index_cast %add3A_316 : i32 to index
        %get3A_344 = arith.constant 16 : index
        %get3A_345 = tpu.vector_load %arg9[%get3A_343, %get3A_344] {strides = array<i32>} : memref<200x64xf32, #tpu.memory_space<vmem>>, vector<1x16xf32>,
        %get3A_346 = vector.shape_cast %get3A_345 : vector<1x16xf32> to vector<16xf32>
        %add3A_347 = arith.addf %add3A_342, %get3A_346 : vector<16xf32>
        %swap3A_348 = arith.index_cast %add3A_316 : i32 to index
        %swap3A_349 = arith.constant 16 : index
        %swap3A_350 = tpu.vector_load %arg10[%swap3A_348, %swap3A_349] {strides = array<i32>} : memref<200x64xf32, #tpu.memory_space<vmem>>, vector<1x16xf32>,
        %swap3A_351 = vector.shape_cast %swap3A_350 : vector<1x16xf32> to vector<16xf32>
        %swap3A_352 = vector.shape_cast %add3A_347 : vector<16xf32> to vector<1x16xf32>
        tpu.vector_store %arg10[%swap3A_348, %swap3A_349], %swap3A_352 {strides = array<i32>} : memref<200x64xf32, #tpu.memory_space<vmem>>, vector<1x16xf32>,
        %get3A_353 = arith.index_cast %add3A_316 : i32 to index
        %get3A_354 = arith.constant 32 : index
        %get3A_355 = tpu.vector_load %arg10[%get3A_353, %get3A_354] {strides = array<i32>} : memref<200x64xf32, #tpu.memory_space<vmem>>, vector<1x16xf32>,
        %get3A_356 = vector.shape_cast %get3A_355 : vector<1x16xf32> to vector<16xf32>
        %get3A_357 = arith.index_cast %add3A_316 : i32 to index
        %get3A_358 = arith.constant 32 : index
        %get3A_359 = tpu.vector_load %arg8[%get3A_357, %get3A_358] {strides = array<i32>} : memref<200x64xf32, #tpu.memory_space<vmem>>, vector<1x16xf32>,
        %get3A_360 = vector.shape_cast %get3A_359 : vector<1x16xf32> to vector<16xf32>
        %add3A_361 = arith.addf %get3A_356, %get3A_360 : vector<16xf32>
        %get3A_362 = arith.index_cast %add3A_316 : i32 to index
        %get3A_363 = arith.constant 32 : index
        %get3A_364 = tpu.vector_load %arg9[%get3A_362, %get3A_363] {strides = array<i32>} : memref<200x64xf32, #tpu.memory_space<vmem>>, vector<1x16xf32>,
        %get3A_365 = vector.shape_cast %get3A_364 : vector<1x16xf32> to vector<16xf32>
        %add3A_366 = arith.addf %add3A_361, %get3A_365 : vector<16xf32>
        %swap3A_367 = arith.index_cast %add3A_316 : i32 to index
        %swap3A_368 = arith.constant 32 : index
        %swap3A_369 = tpu.vector_load %arg10[%swap3A_367, %swap3A_368] {strides = array<i32>} : memref<200x64xf32, #tpu.memory_space<vmem>>, vector<1x16xf32>,
        %swap3A_370 = vector.shape_cast %swap3A_369 : vector<1x16xf32> to vector<16xf32>
        %swap3A_371 = vector.shape_cast %add3A_366 : vector<16xf32> to vector<1x16xf32>
        tpu.vector_store %arg10[%swap3A_367, %swap3A_368], %swap3A_371 {strides = array<i32>} : memref<200x64xf32, #tpu.memory_space<vmem>>, vector<1x16xf32>,
        %get3A_372 = arith.index_cast %add3A_316 : i32 to index
        %get3A_373 = arith.constant 48 : index
        %get3A_374 = tpu.vector_load %arg10[%get3A_372, %get3A_373] {strides = array<i32>} : memref<200x64xf32, #tpu.memory_space<vmem>>, vector<1x16xf32>,
        %get3A_375 = vector.shape_cast %get3A_374 : vector<1x16xf32> to vector<16xf32>
        %get3A_376 = arith.index_cast %add3A_316 : i32 to index
        %get3A_377 = arith.constant 48 : index
        %get3A_378 = tpu.vector_load %arg8[%get3A_376, %get3A_377] {strides = array<i32>} : memref<200x64xf32, #tpu.memory_space<vmem>>, vector<1x16xf32>,
        %get3A_379 = vector.shape_cast %get3A_378 : vector<1x16xf32> to vector<16xf32>
        %add3A_380 = arith.addf %get3A_375, %get3A_379 : vector<16xf32>
        %get3A_381 = arith.index_cast %add3A_316 : i32 to index
        %get3A_382 = arith.constant 48 : index
        %get3A_383 = tpu.vector_load %arg9[%get3A_381, %get3A_382] {strides = array<i32>} : memref<200x64xf32, #tpu.memory_space<vmem>>, vector<1x16xf32>,
        %get3A_384 = vector.shape_cast %get3A_383 : vector<1x16xf32> to vector<16xf32>
        %add3A_385 = arith.addf %add3A_380, %get3A_384 : vector<16xf32>
        %swap3A_386 = arith.index_cast %add3A_316 : i32 to index
        %swap3A_387 = arith.constant 48 : index
        %swap3A_388 = tpu.vector_load %arg10[%swap3A_386, %swap3A_387] {strides = array<i32>} : memref<200x64xf32, #tpu.memory_space<vmem>>, vector<1x16xf32>,
        %swap3A_389 = vector.shape_cast %swap3A_388 : vector<1x16xf32> to vector<16xf32>
        %swap3A_390 = vector.shape_cast %add3A_385 : vector<16xf32> to vector<1x16xf32>
        tpu.vector_store %arg10[%swap3A_386, %swap3A_387], %swap3A_390 {strides = array<i32>} : memref<200x64xf32, #tpu.memory_space<vmem>>, vector<1x16xf32>,
      }
      %scan3A_245 = arith.constant 200 : i32
      %dma_start3A_246 = arith.constant 14 : i32
      %dma_start3A_247 = arith.constant 0 : i32
      %dma_start3A_248 = tpu.memref_slice %arg5[%rem3A_48, %dma_start3A_246, %dma_start3A_247] : memref<2x16x200xi32, #tpu.memory_space<vmem>> -> memref<1x1x200xi32, #tpu.memory_space<vmem>>
      %dma_start3A_249 = tpu.memref_squeeze %dma_start3A_248 : memref<1x1x200xi32, #tpu.memory_space<vmem>> -> memref<200xi32, #tpu.memory_space<vmem>>
      %dma_start3A_250 = arith.constant 0 : i32
      %dma_start3A_251 = arith.constant 0 : i32
      %dma_start3A_252 = tpu.memref_slice %arg3[%dma_start3A_250, %dma_start3A_251] : memref<1000000x64xf32, #tpu.memory_space<hbm>> -> memref<1000000x64xf32, #tpu.memory_space<hbm>>
      tpu.enqueue_indirect_dma source(%dma_start3A_252 : memref<1000000x64xf32, #tpu.memory_space<hbm>>) target(%arg8 : memref<200x64xf32, #tpu.memory_space<vmem>>) offsets(%dma_start3A_249 : memref<200xi32, #tpu.memory_space<vmem>>) semaphore(%arg13 : memref<!tpu.dma_semaphore, #tpu.memory_space<semaphore_mem>>)
      %dma_start3A_253 = arith.constant 15 : i32
      %dma_start3A_254 = arith.constant 0 : i32
      %dma_start3A_255 = tpu.memref_slice %arg5[%rem3A_48, %dma_start3A_253, %dma_start3A_254] : memref<2x16x200xi32, #tpu.memory_space<vmem>> -> memref<1x1x200xi32, #tpu.memory_space<vmem>>
      %dma_start3A_256 = tpu.memref_squeeze %dma_start3A_255 : memref<1x1x200xi32, #tpu.memory_space<vmem>> -> memref<200xi32, #tpu.memory_space<vmem>>
      %dma_start3A_257 = arith.constant 0 : i32
      %dma_start3A_258 = arith.constant 0 : i32
      %dma_start3A_259 = tpu.memref_slice %arg3[%dma_start3A_257, %dma_start3A_258] : memref<1000000x64xf32, #tpu.memory_space<hbm>> -> memref<1000000x64xf32, #tpu.memory_space<hbm>>
      tpu.enqueue_indirect_dma source(%dma_start3A_259 : memref<1000000x64xf32, #tpu.memory_space<hbm>>) target(%arg9 : memref<200x64xf32, #tpu.memory_space<vmem>>) offsets(%dma_start3A_256 : memref<200xi32, #tpu.memory_space<vmem>>) semaphore(%arg14 : memref<!tpu.dma_semaphore, #tpu.memory_space<semaphore_mem>>)
      %dma_wait3A_260 = arith.constant 0 : i32
      %dma_wait3A_261 = arith.constant 0 : i32
      %dma_wait3A_262 = arith.constant 0 : i32
      %dma_wait3A_263 = tpu.memref_slice %arg5[%dma_wait3A_260, %dma_wait3A_261, %dma_wait3A_262] : memref<2x16x200xi32, #tpu.memory_space<vmem>> -> memref<1x1x200xi32, #tpu.memory_space<vmem>>
      %dma_wait3A_264 = tpu.memref_squeeze %dma_wait3A_263 : memref<1x1x200xi32, #tpu.memory_space<vmem>> -> memref<200xi32, #tpu.memory_space<vmem>>
      %dma_wait3A_265 = arith.constant 0 : i32
      %dma_wait3A_266 = arith.constant 0 : i32
      %dma_wait3A_267 = tpu.memref_slice %arg3[%dma_wait3A_265, %dma_wait3A_266] : memref<1000000x64xf32, #tpu.memory_space<hbm>> -> memref<1000000x64xf32, #tpu.memory_space<hbm>>
      tpu.wait_indirect_dma semaphore(%arg11 : memref<!tpu.dma_semaphore, #tpu.memory_space<semaphore_mem>>) src(%dma_wait3A_267 : memref<1000000x64xf32, #tpu.memory_space<hbm>>) dst(%arg6 : memref<200x64xf32, #tpu.memory_space<vmem>>)
      %dma_wait3A_268 = arith.constant 0 : i32
      %dma_wait3A_269 = arith.constant 0 : i32
      %dma_wait3A_270 = arith.constant 0 : i32
      %dma_wait3A_271 = tpu.memref_slice %arg5[%dma_wait3A_268, %dma_wait3A_269, %dma_wait3A_270] : memref<2x16x200xi32, #tpu.memory_space<vmem>> -> memref<1x1x200xi32, #tpu.memory_space<vmem>>
      %dma_wait3A_272 = tpu.memref_squeeze %dma_wait3A_271 : memref<1x1x200xi32, #tpu.memory_space<vmem>> -> memref<200xi32, #tpu.memory_space<vmem>>
      %dma_wait3A_273 = arith.constant 0 : i32
      %dma_wait3A_274 = arith.constant 0 : i32
      %dma_wait3A_275 = tpu.memref_slice %arg3[%dma_wait3A_273, %dma_wait3A_274] : memref<1000000x64xf32, #tpu.memory_space<hbm>> -> memref<1000000x64xf32, #tpu.memory_space<hbm>>
      tpu.wait_indirect_dma semaphore(%arg12 : memref<!tpu.dma_semaphore, #tpu.memory_space<semaphore_mem>>) src(%dma_wait3A_275 : memref<1000000x64xf32, #tpu.memory_space<hbm>>) dst(%arg7 : memref<200x64xf32, #tpu.memory_space<vmem>>)
      %scan3A_276 = arith.constant 0 : i32
      %scan3A_277 = arith.constant 200 : i32
      %scan3A_278 = arith.addi %scan3A_276, %scan3A_277 : i32
      %scan3A_279 = arith.constant 1 : i32
      scf.for %scan3A_312 = %scan3A_276 to %scan3A_278 step %scan3A_279  : i32 {
        %mul3A_313 = arith.constant 1 : i32
        %mul3A_314 = arith.muli %scan3A_312, %mul3A_313 : i32
        %add3A_315 = arith.constant 0 : i32
        %add3A_316 = arith.addi %add3A_315, %mul3A_314 : i32
        %get3A = arith.index_cast %add3A_316 : i32 to index
        %get3A_317 = arith.constant 0 : index
        %get3A_318 = tpu.vector_load %arg10[%get3A, %get3A_317] {strides = array<i32>} : memref<200x64xf32, #tpu.memory_space<vmem>>, vector<1x16xf32>,
        %get3A_319 = vector.shape_cast %get3A_318 : vector<1x16xf32> to vector<16xf32>
        %get3A_320 = arith.index_cast %add3A_316 : i32 to index
        %get3A_321 = arith.constant 0 : index
        %get3A_322 = tpu.vector_load %arg6[%get3A_320, %get3A_321] {strides = array<i32>} : memref<200x64xf32, #tpu.memory_space<vmem>>, vector<1x16xf32>,
        %get3A_323 = vector.shape_cast %get3A_322 : vector<1x16xf32> to vector<16xf32>
        %add3A_324 = arith.addf %get3A_319, %get3A_323 : vector<16xf32>
        %get3A_325 = arith.index_cast %add3A_316 : i32 to index
        %get3A_326 = arith.constant 0 : index
        %get3A_327 = tpu.vector_load %arg7[%get3A_325, %get3A_326] {strides = array<i32>} : memref<200x64xf32, #tpu.memory_space<vmem>>, vector<1x16xf32>,
        %get3A_328 = vector.shape_cast %get3A_327 : vector<1x16xf32> to vector<16xf32>
        %add3A_329 = arith.addf %add3A_324, %get3A_328 : vector<16xf32>
        %swap3A = arith.index_cast %add3A_316 : i32 to index
        %swap3A_330 = arith.constant 0 : index
        %swap3A_331 = tpu.vector_load %arg10[%swap3A, %swap3A_330] {strides = array<i32>} : memref<200x64xf32, #tpu.memory_space<vmem>>, vector<1x16xf32>,
        %swap3A_332 = vector.shape_cast %swap3A_331 : vector<1x16xf32> to vector<16xf32>
        %swap3A_333 = vector.shape_cast %add3A_329 : vector<16xf32> to vector<1x16xf32>
        tpu.vector_store %arg10[%swap3A, %swap3A_330], %swap3A_333 {strides = array<i32>} : memref<200x64xf32, #tpu.memory_space<vmem>>, vector<1x16xf32>,
        %get3A_334 = arith.index_cast %add3A_316 : i32 to index
        %get3A_335 = arith.constant 16 : index
        %get3A_336 = tpu.vector_load %arg10[%get3A_334, %get3A_335] {strides = array<i32>} : memref<200x64xf32, #tpu.memory_space<vmem>>, vector<1x16xf32>,
        %get3A_337 = vector.shape_cast %get3A_336 : vector<1x16xf32> to vector<16xf32>
        %get3A_338 = arith.index_cast %add3A_316 : i32 to index
        %get3A_339 = arith.constant 16 : index
        %get3A_340 = tpu.vector_load %arg6[%get3A_338, %get3A_339] {strides = array<i32>} : memref<200x64xf32, #tpu.memory_space<vmem>>, vector<1x16xf32>,
        %get3A_341 = vector.shape_cast %get3A_340 : vector<1x16xf32> to vector<16xf32>
        %add3A_342 = arith.addf %get3A_337, %get3A_341 : vector<16xf32>
        %get3A_343 = arith.index_cast %add3A_316 : i32 to index
        %get3A_344 = arith.constant 16 : index
        %get3A_345 = tpu.vector_load %arg7[%get3A_343, %get3A_344] {strides = array<i32>} : memref<200x64xf32, #tpu.memory_space<vmem>>, vector<1x16xf32>,
        %get3A_346 = vector.shape_cast %get3A_345 : vector<1x16xf32> to vector<16xf32>
        %add3A_347 = arith.addf %add3A_342, %get3A_346 : vector<16xf32>
        %swap3A_348 = arith.index_cast %add3A_316 : i32 to index
        %swap3A_349 = arith.constant 16 : index
        %swap3A_350 = tpu.vector_load %arg10[%swap3A_348, %swap3A_349] {strides = array<i32>} : memref<200x64xf32, #tpu.memory_space<vmem>>, vector<1x16xf32>,
        %swap3A_351 = vector.shape_cast %swap3A_350 : vector<1x16xf32> to vector<16xf32>
        %swap3A_352 = vector.shape_cast %add3A_347 : vector<16xf32> to vector<1x16xf32>
        tpu.vector_store %arg10[%swap3A_348, %swap3A_349], %swap3A_352 {strides = array<i32>} : memref<200x64xf32, #tpu.memory_space<vmem>>, vector<1x16xf32>,
        %get3A_353 = arith.index_cast %add3A_316 : i32 to index
        %get3A_354 = arith.constant 32 : index
        %get3A_355 = tpu.vector_load %arg10[%get3A_353, %get3A_354] {strides = array<i32>} : memref<200x64xf32, #tpu.memory_space<vmem>>, vector<1x16xf32>,
        %get3A_356 = vector.shape_cast %get3A_355 : vector<1x16xf32> to vector<16xf32>
        %get3A_357 = arith.index_cast %add3A_316 : i32 to index
        %get3A_358 = arith.constant 32 : index
        %get3A_359 = tpu.vector_load %arg6[%get3A_357, %get3A_358] {strides = array<i32>} : memref<200x64xf32, #tpu.memory_space<vmem>>, vector<1x16xf32>,
        %get3A_360 = vector.shape_cast %get3A_359 : vector<1x16xf32> to vector<16xf32>
        %add3A_361 = arith.addf %get3A_356, %get3A_360 : vector<16xf32>
        %get3A_362 = arith.index_cast %add3A_316 : i32 to index
        %get3A_363 = arith.constant 32 : index
        %get3A_364 = tpu.vector_load %arg7[%get3A_362, %get3A_363] {strides = array<i32>} : memref<200x64xf32, #tpu.memory_space<vmem>>, vector<1x16xf32>,
        %get3A_365 = vector.shape_cast %get3A_364 : vector<1x16xf32> to vector<16xf32>
        %add3A_366 = arith.addf %add3A_361, %get3A_365 : vector<16xf32>
        %swap3A_367 = arith.index_cast %add3A_316 : i32 to index
        %swap3A_368 = arith.constant 32 : index
        %swap3A_369 = tpu.vector_load %arg10[%swap3A_367, %swap3A_368] {strides = array<i32>} : memref<200x64xf32, #tpu.memory_space<vmem>>, vector<1x16xf32>,
        %swap3A_370 = vector.shape_cast %swap3A_369 : vector<1x16xf32> to vector<16xf32>
        %swap3A_371 = vector.shape_cast %add3A_366 : vector<16xf32> to vector<1x16xf32>
        tpu.vector_store %arg10[%swap3A_367, %swap3A_368], %swap3A_371 {strides = array<i32>} : memref<200x64xf32, #tpu.memory_space<vmem>>, vector<1x16xf32>,
        %get3A_372 = arith.index_cast %add3A_316 : i32 to index
        %get3A_373 = arith.constant 48 : index
        %get3A_374 = tpu.vector_load %arg10[%get3A_372, %get3A_373] {strides = array<i32>} : memref<200x64xf32, #tpu.memory_space<vmem>>, vector<1x16xf32>,
        %get3A_375 = vector.shape_cast %get3A_374 : vector<1x16xf32> to vector<16xf32>
        %get3A_376 = arith.index_cast %add3A_316 : i32 to index
        %get3A_377 = arith.constant 48 : index
        %get3A_378 = tpu.vector_load %arg6[%get3A_376, %get3A_377] {strides = array<i32>} : memref<200x64xf32, #tpu.memory_space<vmem>>, vector<1x16xf32>,
        %get3A_379 = vector.shape_cast %get3A_378 : vector<1x16xf32> to vector<16xf32>
        %add3A_380 = arith.addf %get3A_375, %get3A_379 : vector<16xf32>
        %get3A_381 = arith.index_cast %add3A_316 : i32 to index
        %get3A_382 = arith.constant 48 : index
        %get3A_383 = tpu.vector_load %arg7[%get3A_381, %get3A_382] {strides = array<i32>} : memref<200x64xf32, #tpu.memory_space<vmem>>, vector<1x16xf32>,
        %get3A_384 = vector.shape_cast %get3A_383 : vector<1x16xf32> to vector<16xf32>
        %add3A_385 = arith.addf %add3A_380, %get3A_384 : vector<16xf32>
        %swap3A_386 = arith.index_cast %add3A_316 : i32 to index
        %swap3A_387 = arith.constant 48 : index
        %swap3A_388 = tpu.vector_load %arg10[%swap3A_386, %swap3A_387] {strides = array<i32>} : memref<200x64xf32, #tpu.memory_space<vmem>>, vector<1x16xf32>,
        %swap3A_389 = vector.shape_cast %swap3A_388 : vector<1x16xf32> to vector<16xf32>
        %swap3A_390 = vector.shape_cast %add3A_385 : vector<16xf32> to vector<1x16xf32>
        tpu.vector_store %arg10[%swap3A_386, %swap3A_387], %swap3A_390 {strides = array<i32>} : memref<200x64xf32, #tpu.memory_space<vmem>>, vector<1x16xf32>,
      }
      %scan3A_280 = arith.constant 200 : i32
      %lt3A_281 = arith.constant 31 : i32
      %lt3A_282 = arith.cmpi slt, %add3A_47, %lt3A_281 : i32
      %convert_element_type3A_283 = arith.extui %lt3A_282 : i1 to i32
      %cond3A_284 = arith.constant 0 : i32
      %cond3A_285 = arith.cmpi ne, %convert_element_type3A_283, %cond3A_284 : i32
      scf.if %cond3A_285 {
        %dma_wait3A_312 = arith.constant 0 : i32
        %dma_wait3A_313 = arith.constant 0 : i32
        %dma_wait3A_314 = arith.constant 0 : i32
        %dma_wait3A_315 = tpu.memref_slice %arg5[%dma_wait3A_312, %dma_wait3A_313, %dma_wait3A_314] : memref<2x16x200xi32, #tpu.memory_space<vmem>> -> memref<1x16x200xi32, #tpu.memory_space<vmem>>
        %dma_wait3A_316 = tpu.memref_squeeze %dma_wait3A_315 : memref<1x16x200xi32, #tpu.memory_space<vmem>> -> memref<16x200xi32, #tpu.memory_space<vmem>>
        %dma_wait3A_317 = arith.constant 0 : i32
        %dma_wait3A_318 = tpu.memref_slice %arg2[%mul3A_2, %dma_wait3A_317] : memref<16384x200xi32, #tpu.memory_space<hbm>> -> memref<16x200xi32, #tpu.memory_space<hbm>>
        %dma_wait3A_319 = arith.constant 0 : i32
        %dma_wait3A_320 = arith.constant 0 : i32
        %dma_wait3A_321 = tpu.memref_slice %arg5[%dma_wait3A_312, %dma_wait3A_319, %dma_wait3A_320] : memref<2x16x200xi32, #tpu.memory_space<vmem>> -> memref<1x16x200xi32, #tpu.memory_space<vmem>>
        %dma_wait3A_322 = tpu.memref_squeeze %dma_wait3A_321 : memref<1x16x200xi32, #tpu.memory_space<vmem>> -> memref<16x200xi32, #tpu.memory_space<vmem>>
        %dma_wait3A_323 = arith.constant 0 : i32
        %dma_wait3A_324 = tpu.memref_slice %arg2[%mul3A_2, %dma_wait3A_323] : memref<16384x200xi32, #tpu.memory_space<hbm>> -> memref<16x200xi32, #tpu.memory_space<hbm>>
        tpu.wait_dma2 semaphore(%arg15 : memref<!tpu.dma_semaphore, #tpu.memory_space<semaphore_mem>>) src(%dma_wait3A_324 : memref<16x200xi32, #tpu.memory_space<hbm>>) dst(%dma_wait3A_322 : memref<16x200xi32, #tpu.memory_space<vmem>>)
        %sub3A = arith.constant 1 : i32
        %sub3A_325 = arith.subi %sub3A, %rem3A_48 : i32
        %dma_start3A_326 = arith.constant 0 : i32
        %dma_start3A_327 = arith.constant 0 : i32
        %dma_start3A_328 = tpu.memref_slice %arg5[%sub3A_325, %dma_start3A_326, %dma_start3A_327] : memref<2x16x200xi32, #tpu.memory_space<vmem>> -> memref<1x1x200xi32, #tpu.memory_space<vmem>>
        %dma_start3A_329 = tpu.memref_squeeze %dma_start3A_328 : memref<1x1x200xi32, #tpu.memory_space<vmem>> -> memref<200xi32, #tpu.memory_space<vmem>>
        %dma_start3A_330 = arith.constant 0 : i32
        %dma_start3A_331 = arith.constant 0 : i32
        %dma_start3A_332 = tpu.memref_slice %arg3[%dma_start3A_330, %dma_start3A_331] : memref<1000000x64xf32, #tpu.memory_space<hbm>> -> memref<1000000x64xf32, #tpu.memory_space<hbm>>
        tpu.enqueue_indirect_dma source(%dma_start3A_332 : memref<1000000x64xf32, #tpu.memory_space<hbm>>) target(%arg6 : memref<200x64xf32, #tpu.memory_space<vmem>>) offsets(%dma_start3A_329 : memref<200xi32, #tpu.memory_space<vmem>>) semaphore(%arg11 : memref<!tpu.dma_semaphore, #tpu.memory_space<semaphore_mem>>)
        %sub3A_333 = arith.constant 1 : i32
        %sub3A_334 = arith.subi %sub3A_333, %rem3A_48 : i32
        %dma_start3A_335 = arith.constant 1 : i32
        %dma_start3A_336 = arith.constant 0 : i32
        %dma_start3A_337 = tpu.memref_slice %arg5[%sub3A_334, %dma_start3A_335, %dma_start3A_336] : memref<2x16x200xi32, #tpu.memory_space<vmem>> -> memref<1x1x200xi32, #tpu.memory_space<vmem>>
        %dma_start3A_338 = tpu.memref_squeeze %dma_start3A_337 : memref<1x1x200xi32, #tpu.memory_space<vmem>> -> memref<200xi32, #tpu.memory_space<vmem>>
        %dma_start3A_339 = arith.constant 0 : i32
        %dma_start3A_340 = arith.constant 0 : i32
        %dma_start3A_341 = tpu.memref_slice %arg3[%dma_start3A_339, %dma_start3A_340] : memref<1000000x64xf32, #tpu.memory_space<hbm>> -> memref<1000000x64xf32, #tpu.memory_space<hbm>>
        tpu.enqueue_indirect_dma source(%dma_start3A_341 : memref<1000000x64xf32, #tpu.memory_space<hbm>>) target(%arg7 : memref<200x64xf32, #tpu.memory_space<vmem>>) offsets(%dma_start3A_338 : memref<200xi32, #tpu.memory_space<vmem>>) semaphore(%arg12 : memref<!tpu.dma_semaphore, #tpu.memory_space<semaphore_mem>>)
      } else {
      }
      %dma_wait3A_286 = arith.constant 0 : i32
      %dma_wait3A_287 = arith.constant 0 : i32
      %dma_wait3A_288 = arith.constant 0 : i32
      %dma_wait3A_289 = tpu.memref_slice %arg5[%dma_wait3A_286, %dma_wait3A_287, %dma_wait3A_288] : memref<2x16x200xi32, #tpu.memory_space<vmem>> -> memref<1x1x200xi32, #tpu.memory_space<vmem>>
      %dma_wait3A_290 = tpu.memref_squeeze %dma_wait3A_289 : memref<1x1x200xi32, #tpu.memory_space<vmem>> -> memref<200xi32, #tpu.memory_space<vmem>>
      %dma_wait3A_291 = arith.constant 0 : i32
      %dma_wait3A_292 = arith.constant 0 : i32
      %dma_wait3A_293 = tpu.memref_slice %arg3[%dma_wait3A_291, %dma_wait3A_292] : memref<1000000x64xf32, #tpu.memory_space<hbm>> -> memref<1000000x64xf32, #tpu.memory_space<hbm>>
      tpu.wait_indirect_dma semaphore(%arg13 : memref<!tpu.dma_semaphore, #tpu.memory_space<semaphore_mem>>) src(%dma_wait3A_293 : memref<1000000x64xf32, #tpu.memory_space<hbm>>) dst(%arg8 : memref<200x64xf32, #tpu.memory_space<vmem>>)
      %dma_wait3A_294 = arith.constant 0 : i32
      %dma_wait3A_295 = arith.constant 0 : i32
      %dma_wait3A_296 = arith.constant 0 : i32
      %dma_wait3A_297 = tpu.memref_slice %arg5[%dma_wait3A_294, %dma_wait3A_295, %dma_wait3A_296] : memref<2x16x200xi32, #tpu.memory_space<vmem>> -> memref<1x1x200xi32, #tpu.memory_space<vmem>>
      %dma_wait3A_298 = tpu.memref_squeeze %dma_wait3A_297 : memref<1x1x200xi32, #tpu.memory_space<vmem>> -> memref<200xi32, #tpu.memory_space<vmem>>
      %dma_wait3A_299 = arith.constant 0 : i32
      %dma_wait3A_300 = arith.constant 0 : i32
      %dma_wait3A_301 = tpu.memref_slice %arg3[%dma_wait3A_299, %dma_wait3A_300] : memref<1000000x64xf32, #tpu.memory_space<hbm>> -> memref<1000000x64xf32, #tpu.memory_space<hbm>>
      tpu.wait_indirect_dma semaphore(%arg14 : memref<!tpu.dma_semaphore, #tpu.memory_space<semaphore_mem>>) src(%dma_wait3A_301 : memref<1000000x64xf32, #tpu.memory_space<hbm>>) dst(%arg9 : memref<200x64xf32, #tpu.memory_space<vmem>>)
      %scan3A_302 = arith.constant 0 : i32
      %scan3A_303 = arith.constant 200 : i32
      %scan3A_304 = arith.addi %scan3A_302, %scan3A_303 : i32
      %scan3A_305 = arith.constant 1 : i32
      scf.for %scan3A_312 = %scan3A_302 to %scan3A_304 step %scan3A_305  : i32 {
        %mul3A_313 = arith.constant 1 : i32
        %mul3A_314 = arith.muli %scan3A_312, %mul3A_313 : i32
        %add3A_315 = arith.constant 0 : i32
        %add3A_316 = arith.addi %add3A_315, %mul3A_314 : i32
        %get3A = arith.index_cast %add3A_316 : i32 to index
        %get3A_317 = arith.constant 0 : index
        %get3A_318 = tpu.vector_load %arg10[%get3A, %get3A_317] {strides = array<i32>} : memref<200x64xf32, #tpu.memory_space<vmem>>, vector<1x16xf32>,
        %get3A_319 = vector.shape_cast %get3A_318 : vector<1x16xf32> to vector<16xf32>
        %get3A_320 = arith.index_cast %add3A_316 : i32 to index
        %get3A_321 = arith.constant 0 : index
        %get3A_322 = tpu.vector_load %arg8[%get3A_320, %get3A_321] {strides = array<i32>} : memref<200x64xf32, #tpu.memory_space<vmem>>, vector<1x16xf32>,
        %get3A_323 = vector.shape_cast %get3A_322 : vector<1x16xf32> to vector<16xf32>
        %add3A_324 = arith.addf %get3A_319, %get3A_323 : vector<16xf32>
        %get3A_325 = arith.index_cast %add3A_316 : i32 to index
        %get3A_326 = arith.constant 0 : index
        %get3A_327 = tpu.vector_load %arg9[%get3A_325, %get3A_326] {strides = array<i32>} : memref<200x64xf32, #tpu.memory_space<vmem>>, vector<1x16xf32>,
        %get3A_328 = vector.shape_cast %get3A_327 : vector<1x16xf32> to vector<16xf32>
        %add3A_329 = arith.addf %add3A_324, %get3A_328 : vector<16xf32>
        %swap3A = arith.index_cast %add3A_316 : i32 to index
        %swap3A_330 = arith.constant 0 : index
        %swap3A_331 = tpu.vector_load %arg10[%swap3A, %swap3A_330] {strides = array<i32>} : memref<200x64xf32, #tpu.memory_space<vmem>>, vector<1x16xf32>,
        %swap3A_332 = vector.shape_cast %swap3A_331 : vector<1x16xf32> to vector<16xf32>
        %swap3A_333 = vector.shape_cast %add3A_329 : vector<16xf32> to vector<1x16xf32>
        tpu.vector_store %arg10[%swap3A, %swap3A_330], %swap3A_333 {strides = array<i32>} : memref<200x64xf32, #tpu.memory_space<vmem>>, vector<1x16xf32>,
        %get3A_334 = arith.index_cast %add3A_316 : i32 to index
        %get3A_335 = arith.constant 16 : index
        %get3A_336 = tpu.vector_load %arg10[%get3A_334, %get3A_335] {strides = array<i32>} : memref<200x64xf32, #tpu.memory_space<vmem>>, vector<1x16xf32>,
        %get3A_337 = vector.shape_cast %get3A_336 : vector<1x16xf32> to vector<16xf32>
        %get3A_338 = arith.index_cast %add3A_316 : i32 to index
        %get3A_339 = arith.constant 16 : index
        %get3A_340 = tpu.vector_load %arg8[%get3A_338, %get3A_339] {strides = array<i32>} : memref<200x64xf32, #tpu.memory_space<vmem>>, vector<1x16xf32>,
        %get3A_341 = vector.shape_cast %get3A_340 : vector<1x16xf32> to vector<16xf32>
        %add3A_342 = arith.addf %get3A_337, %get3A_341 : vector<16xf32>
        %get3A_343 = arith.index_cast %add3A_316 : i32 to index
        %get3A_344 = arith.constant 16 : index
        %get3A_345 = tpu.vector_load %arg9[%get3A_343, %get3A_344] {strides = array<i32>} : memref<200x64xf32, #tpu.memory_space<vmem>>, vector<1x16xf32>,
        %get3A_346 = vector.shape_cast %get3A_345 : vector<1x16xf32> to vector<16xf32>
        %add3A_347 = arith.addf %add3A_342, %get3A_346 : vector<16xf32>
        %swap3A_348 = arith.index_cast %add3A_316 : i32 to index
        %swap3A_349 = arith.constant 16 : index
        %swap3A_350 = tpu.vector_load %arg10[%swap3A_348, %swap3A_349] {strides = array<i32>} : memref<200x64xf32, #tpu.memory_space<vmem>>, vector<1x16xf32>,
        %swap3A_351 = vector.shape_cast %swap3A_350 : vector<1x16xf32> to vector<16xf32>
        %swap3A_352 = vector.shape_cast %add3A_347 : vector<16xf32> to vector<1x16xf32>
        tpu.vector_store %arg10[%swap3A_348, %swap3A_349], %swap3A_352 {strides = array<i32>} : memref<200x64xf32, #tpu.memory_space<vmem>>, vector<1x16xf32>,
        %get3A_353 = arith.index_cast %add3A_316 : i32 to index
        %get3A_354 = arith.constant 32 : index
        %get3A_355 = tpu.vector_load %arg10[%get3A_353, %get3A_354] {strides = array<i32>} : memref<200x64xf32, #tpu.memory_space<vmem>>, vector<1x16xf32>,
        %get3A_356 = vector.shape_cast %get3A_355 : vector<1x16xf32> to vector<16xf32>
        %get3A_357 = arith.index_cast %add3A_316 : i32 to index
        %get3A_358 = arith.constant 32 : index
        %get3A_359 = tpu.vector_load %arg8[%get3A_357, %get3A_358] {strides = array<i32>} : memref<200x64xf32, #tpu.memory_space<vmem>>, vector<1x16xf32>,
        %get3A_360 = vector.shape_cast %get3A_359 : vector<1x16xf32> to vector<16xf32>
        %add3A_361 = arith.addf %get3A_356, %get3A_360 : vector<16xf32>
        %get3A_362 = arith.index_cast %add3A_316 : i32 to index
        %get3A_363 = arith.constant 32 : index
        %get3A_364 = tpu.vector_load %arg9[%get3A_362, %get3A_363] {strides = array<i32>} : memref<200x64xf32, #tpu.memory_space<vmem>>, vector<1x16xf32>,
        %get3A_365 = vector.shape_cast %get3A_364 : vector<1x16xf32> to vector<16xf32>
        %add3A_366 = arith.addf %add3A_361, %get3A_365 : vector<16xf32>
        %swap3A_367 = arith.index_cast %add3A_316 : i32 to index
        %swap3A_368 = arith.constant 32 : index
        %swap3A_369 = tpu.vector_load %arg10[%swap3A_367, %swap3A_368] {strides = array<i32>} : memref<200x64xf32, #tpu.memory_space<vmem>>, vector<1x16xf32>,
        %swap3A_370 = vector.shape_cast %swap3A_369 : vector<1x16xf32> to vector<16xf32>
        %swap3A_371 = vector.shape_cast %add3A_366 : vector<16xf32> to vector<1x16xf32>
        tpu.vector_store %arg10[%swap3A_367, %swap3A_368], %swap3A_371 {strides = array<i32>} : memref<200x64xf32, #tpu.memory_space<vmem>>, vector<1x16xf32>,
        %get3A_372 = arith.index_cast %add3A_316 : i32 to index
        %get3A_373 = arith.constant 48 : index
        %get3A_374 = tpu.vector_load %arg10[%get3A_372, %get3A_373] {strides = array<i32>} : memref<200x64xf32, #tpu.memory_space<vmem>>, vector<1x16xf32>,
        %get3A_375 = vector.shape_cast %get3A_374 : vector<1x16xf32> to vector<16xf32>
        %get3A_376 = arith.index_cast %add3A_316 : i32 to index
        %get3A_377 = arith.constant 48 : index
        %get3A_378 = tpu.vector_load %arg8[%get3A_376, %get3A_377] {strides = array<i32>} : memref<200x64xf32, #tpu.memory_space<vmem>>, vector<1x16xf32>,
        %get3A_379 = vector.shape_cast %get3A_378 : vector<1x16xf32> to vector<16xf32>
        %add3A_380 = arith.addf %get3A_375, %get3A_379 : vector<16xf32>
        %get3A_381 = arith.index_cast %add3A_316 : i32 to index
        %get3A_382 = arith.constant 48 : index
        %get3A_383 = tpu.vector_load %arg9[%get3A_381, %get3A_382] {strides = array<i32>} : memref<200x64xf32, #tpu.memory_space<vmem>>, vector<1x16xf32>,
        %get3A_384 = vector.shape_cast %get3A_383 : vector<1x16xf32> to vector<16xf32>
        %add3A_385 = arith.addf %add3A_380, %get3A_384 : vector<16xf32>
        %swap3A_386 = arith.index_cast %add3A_316 : i32 to index
        %swap3A_387 = arith.constant 48 : index
        %swap3A_388 = tpu.vector_load %arg10[%swap3A_386, %swap3A_387] {strides = array<i32>} : memref<200x64xf32, #tpu.memory_space<vmem>>, vector<1x16xf32>,
        %swap3A_389 = vector.shape_cast %swap3A_388 : vector<1x16xf32> to vector<16xf32>
        %swap3A_390 = vector.shape_cast %add3A_385 : vector<16xf32> to vector<1x16xf32>
        tpu.vector_store %arg10[%swap3A_386, %swap3A_387], %swap3A_390 {strides = array<i32>} : memref<200x64xf32, #tpu.memory_space<vmem>>, vector<1x16xf32>,
      }
      %scan3A_306 = arith.constant 200 : i32
      %lt3A_307 = arith.constant 31 : i32
      %lt3A_308 = arith.cmpi slt, %add3A_47, %lt3A_307 : i32
      %convert_element_type3A_309 = arith.extui %lt3A_308 : i1 to i32
      %cond3A_310 = arith.constant 0 : i32
      %cond3A_311 = arith.cmpi ne, %convert_element_type3A_309, %cond3A_310 : i32
      scf.if %cond3A_311 {
        %sub3A = arith.constant 1 : i32
        %sub3A_312 = arith.subi %sub3A, %rem3A_48 : i32
        %dma_start3A_313 = arith.constant 2 : i32
        %dma_start3A_314 = arith.constant 0 : i32
        %dma_start3A_315 = tpu.memref_slice %arg5[%sub3A_312, %dma_start3A_313, %dma_start3A_314] : memref<2x16x200xi32, #tpu.memory_space<vmem>> -> memref<1x1x200xi32, #tpu.memory_space<vmem>>
        %dma_start3A_316 = tpu.memref_squeeze %dma_start3A_315 : memref<1x1x200xi32, #tpu.memory_space<vmem>> -> memref<200xi32, #tpu.memory_space<vmem>>
        %dma_start3A_317 = arith.constant 0 : i32
        %dma_start3A_318 = arith.constant 0 : i32
        %dma_start3A_319 = tpu.memref_slice %arg3[%dma_start3A_317, %dma_start3A_318] : memref<1000000x64xf32, #tpu.memory_space<hbm>> -> memref<1000000x64xf32, #tpu.memory_space<hbm>>
        tpu.enqueue_indirect_dma source(%dma_start3A_319 : memref<1000000x64xf32, #tpu.memory_space<hbm>>) target(%arg8 : memref<200x64xf32, #tpu.memory_space<vmem>>) offsets(%dma_start3A_316 : memref<200xi32, #tpu.memory_space<vmem>>) semaphore(%arg13 : memref<!tpu.dma_semaphore, #tpu.memory_space<semaphore_mem>>)
        %sub3A_320 = arith.constant 1 : i32
        %sub3A_321 = arith.subi %sub3A_320, %rem3A_48 : i32
        %dma_start3A_322 = arith.constant 3 : i32
        %dma_start3A_323 = arith.constant 0 : i32
        %dma_start3A_324 = tpu.memref_slice %arg5[%sub3A_321, %dma_start3A_322, %dma_start3A_323] : memref<2x16x200xi32, #tpu.memory_space<vmem>> -> memref<1x1x200xi32, #tpu.memory_space<vmem>>
        %dma_start3A_325 = tpu.memref_squeeze %dma_start3A_324 : memref<1x1x200xi32, #tpu.memory_space<vmem>> -> memref<200xi32, #tpu.memory_space<vmem>>
        %dma_start3A_326 = arith.constant 0 : i32
        %dma_start3A_327 = arith.constant 0 : i32
        %dma_start3A_328 = tpu.memref_slice %arg3[%dma_start3A_326, %dma_start3A_327] : memref<1000000x64xf32, #tpu.memory_space<hbm>> -> memref<1000000x64xf32, #tpu.memory_space<hbm>>
        tpu.enqueue_indirect_dma source(%dma_start3A_328 : memref<1000000x64xf32, #tpu.memory_space<hbm>>) target(%arg9 : memref<200x64xf32, #tpu.memory_space<vmem>>) offsets(%dma_start3A_325 : memref<200xi32, #tpu.memory_space<vmem>>) semaphore(%arg14 : memref<!tpu.dma_semaphore, #tpu.memory_space<semaphore_mem>>)
      } else {
      }
    }
    %scan3A_42 = arith.constant 32 : i32
    "tpu.region"() ({
      %run_scoped3A_43 = tpu.sem_alloc : memref<!tpu.dma_semaphore, #tpu.memory_space<semaphore_mem>>
      %dma_start3A_44 = arith.constant 0 : i32
      %dma_start3A_45 = arith.constant 0 : i32
      %dma_start3A_46 = tpu.memref_slice %arg4[%add3A, %dma_start3A_44, %dma_start3A_45] : memref<32x200x64xf32, #tpu.memory_space<hbm>> -> memref<1x200x64xf32, #tpu.memory_space<hbm>>
      %dma_start3A_47 = tpu.memref_squeeze %dma_start3A_46 : memref<1x200x64xf32, #tpu.memory_space<hbm>> -> memref<200x64xf32, #tpu.memory_space<hbm>>
      %dma_start3A_48 = arith.constant 0 : i32
      %dma_start3A_49 = arith.constant 0 : i32
      %dma_start3A_50 = tpu.memref_slice %arg4[%add3A, %dma_start3A_48, %dma_start3A_49] : memref<32x200x64xf32, #tpu.memory_space<hbm>> -> memref<1x200x64xf32, #tpu.memory_space<hbm>>
      %dma_start3A_51 = tpu.memref_squeeze %dma_start3A_50 : memref<1x200x64xf32, #tpu.memory_space<hbm>> -> memref<200x64xf32, #tpu.memory_space<hbm>>
      tpu.enqueue_dma source(%arg10 : memref<200x64xf32, #tpu.memory_space<vmem>>) target(%dma_start3A_51 : memref<200x64xf32, #tpu.memory_space<hbm>>) target_semaphore(%run_scoped3A_43 : memref<!tpu.dma_semaphore, #tpu.memory_space<semaphore_mem>>)
      %dma_wait3A = arith.constant 0 : i32
      %dma_wait3A_52 = arith.constant 0 : i32
      %dma_wait3A_53 = tpu.memref_slice %arg4[%add3A, %dma_wait3A, %dma_wait3A_52] : memref<32x200x64xf32, #tpu.memory_space<hbm>> -> memref<1x200x64xf32, #tpu.memory_space<hbm>>
      %dma_wait3A_54 = tpu.memref_squeeze %dma_wait3A_53 : memref<1x200x64xf32, #tpu.memory_space<hbm>> -> memref<200x64xf32, #tpu.memory_space<hbm>>
      %dma_wait3A_55 = arith.constant 0 : i32
      %dma_wait3A_56 = arith.constant 0 : i32
      %dma_wait3A_57 = tpu.memref_slice %arg4[%add3A, %dma_wait3A_55, %dma_wait3A_56] : memref<32x200x64xf32, #tpu.memory_space<hbm>> -> memref<1x200x64xf32, #tpu.memory_space<hbm>>
      %dma_wait3A_58 = tpu.memref_squeeze %dma_wait3A_57 : memref<1x200x64xf32, #tpu.memory_space<hbm>> -> memref<200x64xf32, #tpu.memory_space<hbm>>
      tpu.wait_dma2 semaphore(%run_scoped3A_43 : memref<!tpu.dma_semaphore, #tpu.memory_space<semaphore_mem>>) src(%arg10 : memref<200x64xf32, #tpu.memory_space<vmem>>) dst(%dma_wait3A_58 : memref<200x64xf32, #tpu.memory_space<hbm>>)
      tpu.yield
    }) : () -> ()
    return
  }
}

module attributes {stable_mosaic.version = 14 : i64} {
  func.func @_tc_combine(%arg0: memref<32x200x64xf32, #tpu.memory_space<vmem>>, %arg1: memref<200x64xf32, #tpu.memory_space<vmem>>) attributes {dimension_semantics = [], scalar_prefetch = 0 : i64, scratch_operands = 0 : i64, tpu.core_type = #tpu.core_type<tc>} {
    %get3A = arith.constant 0 : index
    %get3A_0 = arith.constant 0 : index
    %get3A_1 = arith.constant 0 : index
    %get3A_2 = vector.load %arg0[%get3A, %get3A_0, %get3A_1] : memref<32x200x64xf32, #tpu.memory_space<vmem>>, vector<32x200x64xf32>
    %reduce_sum3A = arith.constant dense<0.000000e+00> : vector<200x64xf32>
    %reduce_sum3A_3 = vector.multi_reduction <add>, %get3A_2, %reduce_sum3A [0] : vector<32x200x64xf32> to vector<200x64xf32>
    %mul3A = arith.constant 6.10351563E-5 : f32
    %mul3A_4 = vector.broadcast %mul3A : f32 to vector<200x64xf32>
    %mul3A_5 = arith.mulf %reduce_sum3A_3, %mul3A_4 : vector<200x64xf32>
    %swap3A = arith.constant 0 : index
    %swap3A_6 = arith.constant 0 : index
    %swap3A_7 = vector.load %arg1[%swap3A, %swap3A_6] : memref<200x64xf32, #tpu.memory_space<vmem>>, vector<200x64xf32>
    tpu.vector_store %arg1[%swap3A, %swap3A_6], %mul3A_5 {strides = array<i32>} : memref<200x64xf32, #tpu.memory_space<vmem>>, vector<200x64xf32>,
    return
  }
}

</mosaic_0001>

<sc_bundles>
// kernel: kernel.4.cloned.1.call-start
scs
__scs_entry_jumppad:
0x0: {  	(pc) =	sbr.rel $0x88, $3  }
0x1: {  	(tag) =	ssettag $0x0;
	lr =	simm.s32 $0x1  }
0x2: {  	[smem:$0x3F9F] =	sst lr;
	_ =	strace $0xD0000000  }
0x3: {  	_ = 	snop  }
0x4: {  	_ = 	snop  }
0x5: {  	_ = 	snop  }
0x6: {  	_ = 	snop  }
0x7: {  	_ = 	snop  }
__scs_overlays_trampoline_lowered:
0x8: {  	[smem:$0x3FAE] =	sst s0  }
0x9: {  	[smem:$0x3FAF] =	sst s1  }
0xa: {  	[smem:$0x3FB0] =	sst s2  }
0xb: {  	[smem:$0x3FB1] =	sst s3  }
0xc: {  	[smem:$0x3FB2] =	sst s4  }
0xd: {  	[smem:$0x3FB3] =	sst s5  }
0xe: {  	[smem:$0x3FB4] =	sst s6  }
0xf: {  	[smem:$0x3FB5] =	sst s7  }
0x10: {  	[smem:$0x3FB6] =	sst s8  }
0x11: {  	[smem:$0x3FB7] =	sst s9;
	s0 =	simm.s32 @!p0 $0x0  }
0x12: {  	s1 =	sld [smem:$0x3F9D];
	s0 =	simm.s32 @p0 $0x1  }
0x13: {  	[smem:$0x3FB8] =	sst s0;
	s0 =	simm.s32 @!p1 $0x0  }
0x14: {  	s2 =	sld [smem:$0x3F9C];
	s0 =	simm.s32 @p1 $0x1  }
0x15: {  	[smem:$0x3FB9] =	sst s0;
	s0 =	simm.s32 @!p2 $0x0  }
0x16: {  	s3 =	sld [smem:$0x3FDB];
	s0 =	simm.s32 @p2 $0x1  }
0x17: {  	s4 =	simm.s32 $0x1BF5;
	[smem:$0x3FBB] =	sst s0  }
0x18: {  	s0 =	sld [smem:$0x3F9E];
	_ =	swait.ge [sflag:s4], $0x0  }
0x19: {  	s7 =	sld [smem:$0x3F9F]  }
0x1a: {  	s8 =	sadd.s32 $0xFFFFE003, lr  }
0x1b: {  	s9 =	sadd.s32 $0xFFFFFEF7, lr;
	s5 =	simm.s32 $0xFFFFFFFF;
	p2 =	slt.u32 s8, $0xFFFFF086  }
0x1c: {  	p1 =	slt.u32 s9, $0xF7A;
	s5 =	simm.s32 @!p2 $0x0  }
0x1d: {  	s5 =	simm.s32 @p1 $0x1;
	p0 =	seq.s32 s7, s2  }
0x1e: {  	s7 =	smul.u32 @!p0 $0xF7A, s2;
	p2 =	seq.s32 @!p0 s5, $0x0  }
0x1f: {  	s9 =	smul.u32 $0xF7A, s1;
	s8 =	simm.s32 @!p0 $0x1BF5;
	p2 =	por !p2, p0  }
0x20: {  	[sflag:s8] =	ssyncset.s32 @!p0 $0xFFFFF086;
	s6 =	sadd.s32 @!p0 s3, s7;
	s7 =	simm.s32 @!p0 $0x108  }
0x21: {  	s3 =	sadd.s32 s3, s9;
	s6 =	sadd.s32 @!p0 $0x88, s6;
	s7 =	simm.s32 @p2 $0x1082  }
0x22: {  	[simem:s7], [sflag:s8] =	dma.local @!p0 [hbm:s6], $0xF7A  }
0x23: {  	s9 =	sor.u32 $0xD0000000, s2;
	s6 =	simm.s32 $0x108;
	_ =	swait.ge @!p0 [sflag:s8], $0x0  }
0x24: {  	s3 =	sadd.s32 $0x88, s3;
	s6 =	simm.s32 @!p1 $0x1082;
	[sflag:s4] =	ssyncset.s32 $0xFFFFF086  }
0x25: {  	[simem:s6], [sflag:s4] =	dma.local [hbm:s3], $0xF7A  }
0x26: {  	[smem:$0x3F9F] =	sst s1;
	(tag) =	ssettag s2;
	_ =	strace s9  }
0x27: {  	s1 =	sld [smem:$0x3FAF]  }
0x28: {  	s2 =	sld [smem:$0x3FB0]  }
0x29: {  	s4 =	sld [smem:$0x3FB2]  }
0x2a: {  	p0 =	seq.s32 s5, $0x0;
	s5 =	sld [smem:$0x3FB3]  }
0x2b: {  	s6 =	sld [smem:$0x3FB4]  }
0x2c: {  	s7 =	sld [smem:$0x3FB5]  }
0x2d: {  	s3 =	simm.s32 $0x108;
	s8 =	sld [smem:$0x3FB6]  }
0x2e: {  	s3 =	simm.s32 @!p0 $0x1082;
	s9 =	sld [smem:$0x3FB7]  }
0x2f: {  	lr =	sadd.s32 s0, s3;
	s0 =	sld [smem:$0x3FAE]  }
0x30: {  	s3 =	sld [smem:$0x3FB1]  }
0x31: {  	[smem:$0x3FBA] =	sst s10  }
0x32: {  	s10 =	sld [smem:$0x3FB8];
	_ =	sdelay $0x3  }
0x33: {  	p0 =	seq.s32 s10, $0x1;
	s10 =	sld [smem:$0x3FBA];
	_ =	sdelay $0x3  }
0x34: {  	[smem:$0x3FBA] =	sst s10  }
0x35: {  	s10 =	sld [smem:$0x3FB9];
	_ =	sdelay $0x3  }
0x36: {  	p1 =	seq.s32 s10, $0x1;
	s10 =	sld [smem:$0x3FBA];
	_ =	sdelay $0x3  }
0x37: {  	[smem:$0x3FBA] =	sst s10  }
0x38: {  	s10 =	sld [smem:$0x3FBB]  }
0x39: {  	_ = 	snop;
	(pc) =	sbr.ind lr, $3  }
0x3a: {  	_ = 	snop  }
0x3b: {  	_ = 	snop  }
0x3c: {  	p2 =	seq.s32 s10, $0x1;
	s10 =	sld [smem:$0x3FBA]  }
0x3d: {  	_ =	shalt  }
0x3e: {  	_ =	shalt  }
0x3f: {  	_ =	shalt  }
0x40: {  	_ =	shalt  }
0x41: {  	_ =	shalt  }
0x42: {  	_ =	shalt  }
0x43: {  	_ =	shalt  }
0x44: {  	_ =	shalt  }
0x45: {  	_ =	shalt  }
0x46: {  	_ =	shalt  }
0x47: {  	_ =	shalt  }
0x48: {  	_ =	shalt  }
0x49: {  	_ =	shalt  }
0x4a: {  	_ =	shalt  }
0x4b: {  	_ =	shalt  }
0x4c: {  	_ =	shalt  }
0x4d: {  	_ =	shalt  }
0x4e: {  	_ =	shalt  }
0x4f: {  	_ =	shalt  }
0x50: {  	_ =	shalt  }
0x51: {  	_ =	shalt  }
0x52: {  	_ =	shalt  }
0x53: {  	_ =	shalt  }
0x54: {  	_ =	shalt  }
0x55: {  	_ =	shalt  }
0x56: {  	_ =	shalt  }
0x57: {  	_ =	shalt  }
0x58: {  	_ =	shalt  }
0x59: {  	_ =	shalt  }
0x5a: {  	_ =	shalt  }
0x5b: {  	_ =	shalt  }
0x5c: {  	_ =	shalt  }
0x5d: {  	_ =	shalt  }
0x5e: {  	_ =	shalt  }
0x5f: {  	_ =	shalt  }
0x60: {  	_ =	shalt  }
0x61: {  	_ =	shalt  }
0x62: {  	_ =	shalt  }
0x63: {  	_ =	shalt  }
0x64: {  	_ =	shalt  }
0x65: {  	_ =	shalt  }
0x66: {  	_ =	shalt  }
0x67: {  	_ =	shalt  }
0x68: {  	_ =	shalt  }
0x69: {  	_ =	shalt  }
0x6a: {  	_ =	shalt  }
0x6b: {  	_ =	shalt  }
0x6c: {  	_ =	shalt  }
0x6d: {  	_ =	shalt  }
0x6e: {  	_ =	shalt  }
0x6f: {  	_ =	shalt  }
0x70: {  	_ =	shalt  }
0x71: {  	_ =	shalt  }
0x72: {  	_ =	shalt  }
0x73: {  	_ =	shalt  }
0x74: {  	_ =	shalt  }
0x75: {  	_ =	shalt  }
0x76: {  	_ =	shalt  }
0x77: {  	_ =	shalt  }
0x78: {  	_ =	shalt  }
0x79: {  	_ =	shalt  }
0x7a: {  	_ =	shalt  }
0x7b: {  	_ =	shalt  }
0x7c: {  	_ =	shalt  }
0x7d: {  	_ =	shalt  }
0x7e: {  	_ =	shalt  }
0x7f: {  	_ =	shalt  }
0x80: {  	_ =	shalt  }
0x81: {  	_ =	shalt  }
0x82: {  	_ =	shalt  }
0x83: {  	_ =	shalt  }
0x84: {  	_ =	shalt  }
0x85: {  	_ =	shalt  }
0x86: {  	_ =	shalt  }
0x87: {  	_ =	shalt  }
.Lfunc_end0:
.L_simem_size_0:
called_computation_lowered:
.L_overlay_start_0:
0x88: {  	s2 =	sld [smem:$0x3FD9]  }
0x89: {  	s3 =	sld [smem:$0x3FFE];
	_ =	sdelay $0x1  }
0x8a: {  	s1 =	srdreg.scid  }
0x8b: {  	s0 =	sand.u32 $0x1, s1  }
0x8c: {  	s16 =	sshll.u32 s0, $0xA;
	s2 =	sadd.s32 s3, s2  }
0x8d: {  	s2 =	sadd.s32 s2, s16  }
0x8e: {  	[smem:$0x3FC6] =	sst s2  }
0x8f: {  	_ = 	snop  }
0x90: {  	(tm) =	ssettm $0x1  }
0x91: {  	s17 =	sld [smem:$0x3FFB];
	_ =	sdelay $0x3  }
0x92: {  	_ =	strace s17  }
0x93: {  	s2 =	sld [smem:$0x3FFC];
	_ =	sdelay $0x3  }
0x94: {  	_ =	strace s2  }
0x95: {  	s2 =	sld [smem:$0x3FFD];
	_ =	sdelay $0x3  }
0x96: {  	_ =	strace s2  }
0x97: {  	_ =	strace $0x8FFFFFFF  }
0x98: {  	s18 =	sld [smem:$0x3FDB];
	_ =	sdelay $0x1  }
0x99: {  	s19 =	simm.s32 $_scs_section_size  }
0x9a: {  	s4 =	simm.s32 $_size__tile_overlayer_lowered;
	s5 =	simm.s32 $_tile_overlayer_lowered  }
0x9b: {  	s22 =	simm.s32 $0x1BFF;
	s21 =	sshll.u32 s5, $0x1;
	s2 =	sadd.s32 s19, s18  }
0x9c: {  	s6 =	simm.s32 $0x0;
	s20 =	sshll.u32 s4, $0x1;
	s4 =	sadd.s32 s21, s2  }
0x9d: {  	[timem:s6], [sflag:s22] =	dma.local [hbm:s4], s20  }
0x9e: {  	_ =	swait.ge [sflag:s22], s20  }
0x9f: {  	s3 =	ssub.s32 $0x0, s20;
	[sflag:s22] =	ssyncset.done $0x0  }
0xa0: {  	[sflag:s22] =	ssyncadd.s32 s3;
	_ =	sdelay $0x1  }
0xa1: {  	s23 =	simm.s32 $0x1B8B  }
0xa2: {  	_ =	swait.ge [sflag:s23], $0x1  }
0xa3: {  	[sflag:s23] =	ssyncset.done $0x0  }
0xa4: {  	s25 =	simm.s32 $0x1B8E;
	s24 =	sld [smem:$0x3FFE];
	[sflag:s23] =	ssyncadd.s32 $0xFFFFFFFF  }
0xa5: {  	s26 =	simm.s32 $execute0_lowered;
	[smem:$0x3FD2] =	sst s25  }
0xa6: {  	s4 =	sshll.u32 s26, $0x1;
	_ =	strace $0x80000046;
	[dreg:$0x1] =	wrdreg $0xFFFFFFFF  }
0xa7: {  	s28 =	simm.s32 $_size_execute0_lowered;
	s2 =	sadd.s32 s2, s4;
	[dreg:$0x0] =	wrdreg $0x0  }
0xa8: {  	s4 =	sshll.u32 s28, $0x1;
	[dreg:$0x2] =	wrdreg s2  }
0xa9: {  	[dreg:$0x3] =	wrdreg s4  }
0xaa: {  	[dreg:$0x4] =	wrdreg $0xC0  }
0xab: {  	_ =	task [dreg:s6], $0x5FFFF  }
0xac: {  	[dreg:$0x1] =	wrdreg $0xFFFFFFFF  }
0xad: {  	[dreg:$0x0] =	wrdreg $0x60  }
0xae: {  	[dreg:$0x2] =	wrdreg s24  }
0xaf: {  	[dreg:$0x3] =	wrdreg $0x9  }
0xb0: {  	_ =	task.clear_ibuf [dreg:s6], $0x4FFFF;
	_ =	strace $0x90000046  }
0xb1: {  	s29 =	simm.s32 $0x9;
	_ =	strace $0x80000048  }
0xb2: {  	_ =	swait.ge [sflag:s29], $0x1  }
0xb3: {  	[sflag:s29] =	ssyncadd.s32 $0xFFFFFFFF  }
0xb4: {  	_ =	strace $0x90000048  }
0xb5: {  	_ =	sfence  }
0xb6: {  	s30 =	sld [smem:$0x0];
	_ =	sdelay $0x2  }
0xb7: {  	s31 =	sshll.u32 s1, $0xD;
	s1 =	sshrl.u32 s1, $0x2  }
0xb8: {  	s3 =	sand.u32 $0x4000, s31;
	s1 =	sadd.s32 s1, s30  }
0xb9: {  	s0 =	sor.u32 s3, s0;
	s1 =	sshll.u32 s1, $0x11  }
0xba: {  	s0 =	sor.u32 s1, s0  }
0xbb: {  	s0 =	sadd.s32 $0x8F2B, s0  }
0xbc: {  	[sflag:s0] =	ssyncadd.remote.s32 $0x1  }
0xbd: {  	_ =	sfence.sel $0xFFFF  }
0xbe: {  	[dreg:$0x0] =	wrdreg $0xFFFFFFFF;
	(pc) =	sbr.abs _section_cstart, $3  }
0xbf: {  	[dreg:$0x1] =	wrdreg $0xFFFFFFFF  }
0xc0: {  	_ =	task.clear_ibuf [dreg:s6], $0x2FFFF;
	_ =	strace $0x9FFFFFFF  }
0xc1: {  	(tm) =	ssettm $0x7FFFFFFF  }
tec
execute0_lowered:
.L_overlay_start_1:
0x0: {  	(tag) =	ssettag $0x1  }
0x1: {  	s5 =	rddreg [dreg:$0x0]  }
0x2: {  	s0 =	rddreg [dreg:$0x1]  }
0x3: {  	s2 =	simm.s32 $0x0;
	s3 =	srdreg.scid;
	s1 =	stileid.u32  }
0x4: {  	s11 =	simm.s32 $0x1900;
	s12 =	simm.s32 $0x4B00;
	s13 =	simm.s32 $0x190  }
0x5: {  	s14 =	simm.s32 $0x7D00;
	s15 =	simm.s32 $0x258;
	s16 =	simm.s32 $0xAF00  }
0x6: {  	s17 =	simm.s32 $0x1;
	s18 =	simm.s32 $0x2;
	s19 =	simm.s32 $0x3  }
0x7: {  	s20 =	simm.s32 $0x4;
	s4 =	sand.u32 $0x1, s3;
	s31 =	sshll.u32 s1, $0x1  }
0x8: {  	s21 =	simm.s32 $0xE100;
	s22 =	simm.s32 $0x0;
	s6 =	sor.u32 s4, s31  }
0x9: {  	[smem:$0x7FF] =	sst s2;
	s3 =	sadd.s32 $0x600, s5;
	s7 =	smul.u32 $0x640, s6  }
.Ltmp0:
0xa: {  	_ =	strace $0x80000047;
	s8 =	ssub.s32 $0x2, s4;
	(pc) =	sbr.rel .LBB2_1-.Ltmp0, $4  }
0xb: {  	s9 =	sshrl.u32 s8, $0x1;
	s10 =	smul.u32 $0x3200, s6;
	s6 =	sshll.u32 s6, $0x9  }
0xc: {  	s4 =	sadd.s32 $0xF42A00, s5;
	s8 =	ssub.s32 s8, s9;
	s6 =	sor.u32 $0x10, s6  }
0xd: {  	s9 =	simm.s32 $0x6;
	s7 =	sadd.s32 s7, s5;
	s5 =	sadd.s32 s3, s10  }
0xe: {  	v0 =	vimm.f32 $0.0e+00;
	s8 =	smax.u32 s8, $0x1;
	s10 =	simm.s32 $0xC8;
	s7 =	sadd.s32 $0x64600, s7  }
.LBB2_22:
0xf: {  	s22 =	sadd.s32 $0x1, s22  }
0x10: {  	p0 =	sne.s32 s22, s8  }
.Ltmp1:
0x11: {  	_ = 	snop;
	(pc) =	sbr.rel @!p0 .LBB2_23-.Ltmp1, $4  }
0x12: {  	[hbm4b:s7+s2] =	stream.linear.scatter [tilespmem:s21], [sflag:$0x6], $0x3200, $0x38;
	[tilespmem:$0x11300] =	vst v63  }
0x13: {  	_ =	swait.ge [sflag:s9], $0x3200  }
0x14: {  	[sflag:s9] =	ssyncset.done $0x0  }
0x15: {  	[sflag:s9] =	ssyncadd.s32 $0xFFFFCE00  }
.LBB2_1:
0x16: {  	[tilespmem:s2], [sflag:$0x6] =	stream.linear.gather [hbm4b:s5+s2], $0xC80, $0x38;
	[tilespmem:$0x11300] =	vst v63  }
0x17: {  	_ =	swait.ge [sflag:s9], $0xC80  }
0x18: {  	[sflag:s9] =	ssyncset.done $0x0  }
0x19: {  	s24 =	simm.s32 $0x100;
	s23 =	simm.s32 $0x0;
	[sflag:s9] =	ssyncadd.s32 $0xFFFFF380  }
.LBB2_2:
0x1a: {  	p0 =	sne.s32 s24, $0xC700;
	[tilespmem:s23+$0xE130] =	vst v0;
	s25 =	smov.u32 s24;
	s24 =	sadd.s32 $0x100, s24  }
.Ltmp2:
0x1b: {  	[tilespmem:s23+$0xE120] =	vst v0;
	(pc) =	sbr.rel @p0 .LBB2_2-.Ltmp2, $3  }
0x1c: {  	[tilespmem:s23+$0xE100] =	vst v0  }
0x1d: {  	[tilespmem:s23+$0xE110] =	vst v0;
	_ =	sdelay $0x1  }
0x1e: {  	s23 =	sshra.s32 s25, $0x2  }
0x1f: {  	[tilespmem:s23+$0xE130] =	vst v0  }
0x20: {  	[tilespmem:s23+$0xE120] =	vst v0  }
0x21: {  	[tilespmem:s23+$0xE100] =	vst v0  }
0x22: {  	[tilespmem:s23+$0xE110] =	vst v0;
	s23 =	simm.s32 $0x0  }
0x23: {  	[tilespmem:s11], [sflag:$0x1] =	stream.indirect.gather [hbm4b:s4+s10], $0x40, s23, s10, $0xb8;
	[tilespmem:$0x11300] =	vst v63  }
0x24: {  	_ = 	snop  }
0x25: {  	[tilespmem:s12], [sflag:$0x2] =	stream.indirect.gather [hbm4b:s4+s10], $0x40, s10, s10, $0xb8;
	[tilespmem:$0x11300] =	vst v63  }
0x26: {  	_ = 	snop  }
0x27: {  	[tilespmem:s14], [sflag:$0x3] =	stream.indirect.gather [hbm4b:s4+s10], $0x40, s13, s10, $0xb8;
	[tilespmem:$0x11300] =	vst v63  }
0x28: {  	_ = 	snop  }
0x29: {  	[tilespmem:s16], [sflag:$0x4] =	stream.indirect.gather [hbm4b:s4+s10], $0x40, s15, s10, $0xb8;
	[tilespmem:$0x11300] =	vst v63  }
.LBB2_4:
0x2a: {  	_ =	swait.ge [sflag:s17], $0x3200  }
0x2b: {  	[sflag:s17] =	ssyncset.done $0x0  }
0x2c: {  	[sflag:s17] =	ssyncadd.s32 $0xFFFFCE00  }
0x2d: {  	_ =	swait.ge [sflag:s18], $0x3200  }
0x2e: {  	[sflag:s18] =	ssyncset.done $0x0  }
0x2f: {  	s25 =	simm.s32 $0x0;
	[sflag:s18] =	ssyncadd.s32 $0xFFFFCE00  }
0x30: {  	v6 =	vld [tilespmem:s25+$0x4B00]  }
0x31: {  	v5 =	vld [tilespmem:s25+$0x4B10]  }
0x32: {  	v4 =	vld [tilespmem:s25+$0x1900]  }
0x33: {  	v3 =	vld [tilespmem:s25+$0x1910]  }
0x34: {  	v2 =	vld [tilespmem:s25+$0x1920]  }
0x35: {  	v1 =	vld [tilespmem:s25+$0x1930]  }
0x36: {  	v8 =	vld [tilespmem:s25+$0xE100]  }
0x37: {  	v9 =	vld [tilespmem:s25+$0xE110]  }
0x38: {  	s24 =	simm.s32 $0x100;
	v7 =	vld [tilespmem:s25+$0xE120]  }
.LBB2_5:
0x39: {  	p0 =	sne.s32 s24, $0xC700;
	v10 =	vld [tilespmem:s25+$0xE130]  }
0x3a: {  	v11 =	vld [tilespmem:s25+$0x4B20]  }
0x3b: {  	s26 =	sshra.s32 s24, $0x2;
	v4 =	vadd.f32 v4, v8;
	v8 =	vld [tilespmem:s25+$0x4B30]  }
0x3c: {  	v12 =	vld [tilespmem:s26+$0x4B00];
	v3 =	vadd.f32 v3, v9  }
0x3d: {  	v9 =	vld [tilespmem:s26+$0x4B10];
	v6 =	vadd.f32 v6, v4;
	v2 =	vadd.f32 v2, v7  }
0x3e: {  	v4 =	vld [tilespmem:s26+$0x1900];
	v5 =	vadd.f32 v5, v3;
	v1 =	vadd.f32 v1, v10  }
0x3f: {  	v3 =	vld [tilespmem:s26+$0x1910];
	[tilespmem:s25+$0xE100] =	vst v6;
	v7 =	vadd.f32 v11, v2  }
.Ltmp3:
0x40: {  	v2 =	vld [tilespmem:s26+$0x1920];
	[tilespmem:s25+$0xE110] =	vst v5;
	v10 =	vadd.f32 v8, v1;
	(pc) =	sbr.rel @p0 .LBB2_5-.Ltmp3, $4  }
0x41: {  	v1 =	vld [tilespmem:s26+$0x1930];
	[tilespmem:s25+$0xE120] =	vst v7;
	v6 =	vmov v12  }
0x42: {  	v8 =	vld [tilespmem:s26+$0xE100];
	[tilespmem:s25+$0xE130] =	vst v10;
	v5 =	vmov v9;
	s25 =	smov.u32 s26  }
0x43: {  	v9 =	vld [tilespmem:s25+$0xE110]  }
0x44: {  	s24 =	sadd.s32 $0x100, s24;
	v7 =	vld [tilespmem:s25+$0xE120]  }
0x45: {  	v10 =	vld [tilespmem:s25+$0xE130]  }
0x46: {  	v11 =	vld [tilespmem:s25+$0x4B20]  }
0x47: {  	v4 =	vadd.f32 v4, v8;
	v8 =	vld [tilespmem:s25+$0x4B30]  }
0x48: {  	v3 =	vadd.f32 v3, v9  }
0x49: {  	v4 =	vadd.f32 v6, v4;
	v2 =	vadd.f32 v2, v7  }
0x4a: {  	s24 =	sand.u32 $0x1, s23;
	v3 =	vadd.f32 v5, v3;
	v1 =	vadd.f32 v1, v10  }
0x4b: {  	s26 =	smul.u32 $0x3200, s24;
	[tilespmem:s25+$0xE100] =	vst v4;
	v2 =	vadd.f32 v11, v2  }
0x4c: {  	[tilespmem:s25+$0xE110] =	vst v3;
	v1 =	vadd.f32 v8, v1  }
0x4d: {  	p0 =	seq.s32 s23, $0x1F;
	s26 =	sshrl.u32 s26, $0x2;
	[tilespmem:s25+$0xE120] =	vst v2  }
0x4e: {  	s28 =	sxor.u32 @!p0 $0x1, s24;
	s31 =	sadd.s32 $0x320, s26;
	[tilespmem:s25+$0xE130] =	vst v1;
	s25 =	sshll.u32 @!p0 s23, $0x4  }
0x4f: {  	[tilespmem:s11], [sflag:$0x1] =	stream.indirect.gather [hbm4b:s4+s10], $0x40, s31, s10, $0xb8;
	[tilespmem:$0x11300] =	vst v63  }
0x50: {  	s28 =	smul.u32 @!p0 $0x3200, s28;
	s25 =	sadd.s32 @!p0 s25, s6  }
0x51: {  	s29 =	sadd.s32 $0x3E8, s26;
	s30 =	smul.u32 @!p0 $0x19, s25  }
0x52: {  	[tilespmem:s12], [sflag:$0x2] =	stream.indirect.gather [hbm4b:s4+s10], $0x40, s29, s10, $0xb8;
	[tilespmem:$0x11300] =	vst v63  }
0x53: {  	s25 =	sshrl.u32 @!p0 s28, $0x2;
	s29 =	simm.s32 @!p0 $0x0;
	s28 =	sadd.s32 @!p0 s3, s30  }
0x54: {  	[tilespmem:s25], [sflag:$0x5] =	stream.linear.gather @!p0 [hbm4b:s28+s29], $0xC80, $0x38;
	[tilespmem:$0x11300] =	vst v63  }
0x55: {  	_ =	swait.ge [sflag:s19], $0x3200  }
0x56: {  	[sflag:s19] =	ssyncset.done $0x0  }
0x57: {  	[sflag:s19] =	ssyncadd.s32 $0xFFFFCE00  }
0x58: {  	_ =	swait.ge [sflag:s20], $0x3200  }
0x59: {  	[sflag:s20] =	ssyncset.done $0x0  }
0x5a: {  	s28 =	simm.s32 $0x0;
	[sflag:s20] =	ssyncadd.s32 $0xFFFFCE00  }
0x5b: {  	v6 =	vld [tilespmem:s28+$0xAF00]  }
0x5c: {  	v5 =	vld [tilespmem:s28+$0xAF10]  }
0x5d: {  	v4 =	vld [tilespmem:s28+$0x7D00]  }
0x5e: {  	v3 =	vld [tilespmem:s28+$0x7D10]  }
0x5f: {  	v2 =	vld [tilespmem:s28+$0x7D20]  }
0x60: {  	v1 =	vld [tilespmem:s28+$0x7D30]  }
0x61: {  	v8 =	vld [tilespmem:s28+$0xE100]  }
0x62: {  	v9 =	vld [tilespmem:s28+$0xE110]  }
0x63: {  	s29 =	simm.s32 $0x100;
	v7 =	vld [tilespmem:s28+$0xE120]  }
.LBB2_7:
0x64: {  	p1 =	sne.s32 s29, $0xC700;
	v10 =	vld [tilespmem:s28+$0xE130]  }
0x65: {  	v11 =	vld [tilespmem:s28+$0xAF20]  }
0x66: {  	s30 =	sshra.s32 s29, $0x2;
	v4 =	vadd.f32 v4, v8;
	v8 =	vld [tilespmem:s28+$0xAF30]  }
0x67: {  	v12 =	vld [tilespmem:s30+$0xAF00];
	v3 =	vadd.f32 v3, v9  }
0x68: {  	v9 =	vld [tilespmem:s30+$0xAF10];
	v6 =	vadd.f32 v6, v4;
	v2 =	vadd.f32 v2, v7  }
0x69: {  	v4 =	vld [tilespmem:s30+$0x7D00];
	v5 =	vadd.f32 v5, v3;
	v1 =	vadd.f32 v1, v10  }
0x6a: {  	v3 =	vld [tilespmem:s30+$0x7D10];
	[tilespmem:s28+$0xE100] =	vst v6;
	v7 =	vadd.f32 v11, v2  }
.Ltmp4:
0x6b: {  	v2 =	vld [tilespmem:s30+$0x7D20];
	[tilespmem:s28+$0xE110] =	vst v5;
	v10 =	vadd.f32 v8, v1;
	(pc) =	sbr.rel @p1 .LBB2_7-.Ltmp4, $4  }
0x6c: {  	v1 =	vld [tilespmem:s30+$0x7D30];
	[tilespmem:s28+$0xE120] =	vst v7;
	v6 =	vmov v12  }
0x6d: {  	v8 =	vld [tilespmem:s30+$0xE100];
	[tilespmem:s28+$0xE130] =	vst v10;
	v5 =	vmov v9;
	s28 =	smov.u32 s30  }
0x6e: {  	v9 =	vld [tilespmem:s28+$0xE110]  }
0x6f: {  	s29 =	sadd.s32 $0x100, s29;
	v7 =	vld [tilespmem:s28+$0xE120]  }
0x70: {  	v10 =	vld [tilespmem:s28+$0xE130]  }
0x71: {  	v11 =	vld [tilespmem:s28+$0xAF20]  }
0x72: {  	v4 =	vadd.f32 v4, v8;
	v8 =	vld [tilespmem:s28+$0xAF30]  }
0x73: {  	v3 =	vadd.f32 v3, v9  }
0x74: {  	v4 =	vadd.f32 v6, v4;
	v2 =	vadd.f32 v2, v7  }
0x75: {  	v3 =	vadd.f32 v5, v3;
	v1 =	vadd.f32 v1, v10  }
0x76: {  	[tilespmem:s28+$0xE100] =	vst v4;
	v2 =	vadd.f32 v11, v2  }
0x77: {  	[tilespmem:s28+$0xE110] =	vst v3;
	v1 =	vadd.f32 v8, v1  }
0x78: {  	[tilespmem:s28+$0xE120] =	vst v2  }
0x79: {  	[tilespmem:s28+$0xE130] =	vst v1;
	s28 =	sadd.s32 $0x4B0, s26  }
0x7a: {  	[tilespmem:s14], [sflag:$0x3] =	stream.indirect.gather [hbm4b:s4+s10], $0x40, s28, s10, $0xb8;
	[tilespmem:$0x11300] =	vst v63  }
0x7b: {  	s28 =	sadd.s32 $0x578, s26  }
0x7c: {  	[tilespmem:s16], [sflag:$0x4] =	stream.indirect.gather [hbm4b:s4+s10], $0x40, s28, s10, $0xb8;
	[tilespmem:$0x11300] =	vst v63  }
0x7d: {  	_ =	swait.ge [sflag:s17], $0x3200  }
0x7e: {  	[sflag:s17] =	ssyncset.done $0x0  }
0x7f: {  	[sflag:s17] =	ssyncadd.s32 $0xFFFFCE00  }
0x80: {  	_ =	swait.ge [sflag:s18], $0x3200  }
0x81: {  	[sflag:s18] =	ssyncset.done $0x0  }
0x82: {  	s28 =	simm.s32 $0x0;
	[sflag:s18] =	ssyncadd.s32 $0xFFFFCE00  }
0x83: {  	v6 =	vld [tilespmem:s28+$0x4B00]  }
0x84: {  	v5 =	vld [tilespmem:s28+$0x4B10]  }
0x85: {  	v4 =	vld [tilespmem:s28+$0x1900]  }
0x86: {  	v3 =	vld [tilespmem:s28+$0x1910]  }
0x87: {  	v2 =	vld [tilespmem:s28+$0x1920]  }
0x88: {  	v1 =	vld [tilespmem:s28+$0x1930]  }
0x89: {  	v8 =	vld [tilespmem:s28+$0xE100]  }
0x8a: {  	v9 =	vld [tilespmem:s28+$0xE110]  }
0x8b: {  	s29 =	simm.s32 $0x100;
	v7 =	vld [tilespmem:s28+$0xE120]  }
.LBB2_9:
0x8c: {  	p1 =	sne.s32 s29, $0xC700;
	v10 =	vld [tilespmem:s28+$0xE130]  }
0x8d: {  	v11 =	vld [tilespmem:s28+$0x4B20]  }
0x8e: {  	s30 =	sshra.s32 s29, $0x2;
	v4 =	vadd.f32 v4, v8;
	v8 =	vld [tilespmem:s28+$0x4B30]  }
0x8f: {  	v12 =	vld [tilespmem:s30+$0x4B00];
	v3 =	vadd.f32 v3, v9  }
0x90: {  	v9 =	vld [tilespmem:s30+$0x4B10];
	v6 =	vadd.f32 v6, v4;
	v2 =	vadd.f32 v2, v7  }
0x91: {  	v4 =	vld [tilespmem:s30+$0x1900];
	v5 =	vadd.f32 v5, v3;
	v1 =	vadd.f32 v1, v10  }
0x92: {  	v3 =	vld [tilespmem:s30+$0x1910];
	[tilespmem:s28+$0xE100] =	vst v6;
	v7 =	vadd.f32 v11, v2  }
.Ltmp5:
0x93: {  	v2 =	vld [tilespmem:s30+$0x1920];
	[tilespmem:s28+$0xE110] =	vst v5;
	v10 =	vadd.f32 v8, v1;
	(pc) =	sbr.rel @p1 .LBB2_9-.Ltmp5, $4  }
0x94: {  	v1 =	vld [tilespmem:s30+$0x1930];
	[tilespmem:s28+$0xE120] =	vst v7;
	v6 =	vmov v12  }
0x95: {  	v8 =	vld [tilespmem:s30+$0xE100];
	[tilespmem:s28+$0xE130] =	vst v10;
	v5 =	vmov v9;
	s28 =	smov.u32 s30  }
0x96: {  	v9 =	vld [tilespmem:s28+$0xE110]  }
0x97: {  	s29 =	sadd.s32 $0x100, s29;
	v7 =	vld [tilespmem:s28+$0xE120]  }
0x98: {  	v10 =	vld [tilespmem:s28+$0xE130]  }
0x99: {  	v11 =	vld [tilespmem:s28+$0x4B20]  }
0x9a: {  	v4 =	vadd.f32 v4, v8;
	v8 =	vld [tilespmem:s28+$0x4B30]  }
0x9b: {  	v3 =	vadd.f32 v3, v9  }
0x9c: {  	v4 =	vadd.f32 v6, v4;
	v2 =	vadd.f32 v2, v7  }
0x9d: {  	v3 =	vadd.f32 v5, v3;
	v1 =	vadd.f32 v1, v10  }
0x9e: {  	[tilespmem:s28+$0xE100] =	vst v4;
	v2 =	vadd.f32 v11, v2  }
0x9f: {  	[tilespmem:s28+$0xE110] =	vst v3;
	v1 =	vadd.f32 v8, v1  }
0xa0: {  	[tilespmem:s28+$0xE120] =	vst v2  }
0xa1: {  	[tilespmem:s28+$0xE130] =	vst v1;
	s28 =	sadd.s32 $0x640, s26  }
0xa2: {  	[tilespmem:s11], [sflag:$0x1] =	stream.indirect.gather [hbm4b:s4+s10], $0x40, s28, s10, $0xb8;
	[tilespmem:$0x11300] =	vst v63  }
0xa3: {  	s28 =	sadd.s32 $0x708, s26  }
0xa4: {  	[tilespmem:s12], [sflag:$0x2] =	stream.indirect.gather [hbm4b:s4+s10], $0x40, s28, s10, $0xb8;
	[tilespmem:$0x11300] =	vst v63  }
0xa5: {  	_ =	swait.ge [sflag:s19], $0x3200  }
0xa6: {  	[sflag:s19] =	ssyncset.done $0x0  }
0xa7: {  	[sflag:s19] =	ssyncadd.s32 $0xFFFFCE00  }
0xa8: {  	_ =	swait.ge [sflag:s20], $0x3200  }
0xa9: {  	[sflag:s20] =	ssyncset.done $0x0  }
0xaa: {  	s28 =	simm.s32 $0x0;
	[sflag:s20] =	ssyncadd.s32 $0xFFFFCE00  }
0xab: {  	v6 =	vld [tilespmem:s28+$0xAF00]  }
0xac: {  	v5 =	vld [tilespmem:s28+$0xAF10]  }
0xad: {  	v4 =	vld [tilespmem:s28+$0x7D00]  }
0xae: {  	v3 =	vld [tilespmem:s28+$0x7D10]  }
0xaf: {  	v2 =	vld [tilespmem:s28+$0x7D20]  }
0xb0: {  	v1 =	vld [tilespmem:s28+$0x7D30]  }
0xb1: {  	v8 =	vld [tilespmem:s28+$0xE100]  }
0xb2: {  	v9 =	vld [tilespmem:s28+$0xE110]  }
0xb3: {  	s29 =	simm.s32 $0x100;
	v7 =	vld [tilespmem:s28+$0xE120]  }
.LBB2_11:
0xb4: {  	p1 =	sne.s32 s29, $0xC700;
	v10 =	vld [tilespmem:s28+$0xE130]  }
0xb5: {  	v11 =	vld [tilespmem:s28+$0xAF20]  }
0xb6: {  	s30 =	sshra.s32 s29, $0x2;
	v4 =	vadd.f32 v4, v8;
	v8 =	vld [tilespmem:s28+$0xAF30]  }
0xb7: {  	v12 =	vld [tilespmem:s30+$0xAF00];
	v3 =	vadd.f32 v3, v9  }
0xb8: {  	v9 =	vld [tilespmem:s30+$0xAF10];
	v6 =	vadd.f32 v6, v4;
	v2 =	vadd.f32 v2, v7  }
0xb9: {  	v4 =	vld [tilespmem:s30+$0x7D00];
	v5 =	vadd.f32 v5, v3;
	v1 =	vadd.f32 v1, v10  }
0xba: {  	v3 =	vld [tilespmem:s30+$0x7D10];
	[tilespmem:s28+$0xE100] =	vst v6;
	v7 =	vadd.f32 v11, v2  }
.Ltmp6:
0xbb: {  	v2 =	vld [tilespmem:s30+$0x7D20];
	[tilespmem:s28+$0xE110] =	vst v5;
	v10 =	vadd.f32 v8, v1;
	(pc) =	sbr.rel @p1 .LBB2_11-.Ltmp6, $4  }
0xbc: {  	v1 =	vld [tilespmem:s30+$0x7D30];
	[tilespmem:s28+$0xE120] =	vst v7;
	v6 =	vmov v12  }
0xbd: {  	v8 =	vld [tilespmem:s30+$0xE100];
	[tilespmem:s28+$0xE130] =	vst v10;
	v5 =	vmov v9;
	s28 =	smov.u32 s30  }
0xbe: {  	v9 =	vld [tilespmem:s28+$0xE110]  }
0xbf: {  	s29 =	sadd.s32 $0x100, s29;
	v7 =	vld [tilespmem:s28+$0xE120]  }
0xc0: {  	v10 =	vld [tilespmem:s28+$0xE130]  }
0xc1: {  	v11 =	vld [tilespmem:s28+$0xAF20]  }
0xc2: {  	v4 =	vadd.f32 v4, v8;
	v8 =	vld [tilespmem:s28+$0xAF30]  }
0xc3: {  	v3 =	vadd.f32 v3, v9  }
0xc4: {  	v4 =	vadd.f32 v6, v4;
	v2 =	vadd.f32 v2, v7  }
0xc5: {  	v3 =	vadd.f32 v5, v3;
	v1 =	vadd.f32 v1, v10  }
0xc6: {  	[tilespmem:s28+$0xE100] =	vst v4;
	v2 =	vadd.f32 v11, v2  }
0xc7: {  	[tilespmem:s28+$0xE110] =	vst v3;
	v1 =	vadd.f32 v8, v1  }
0xc8: {  	[tilespmem:s28+$0xE120] =	vst v2  }
0xc9: {  	[tilespmem:s28+$0xE130] =	vst v1;
	s28 =	sadd.s32 $0x7D0, s26  }
0xca: {  	[tilespmem:s14], [sflag:$0x3] =	stream.indirect.gather [hbm4b:s4+s10], $0x40, s28, s10, $0xb8;
	[tilespmem:$0x11300] =	vst v63  }
0xcb: {  	s28 =	sadd.s32 $0x898, s26  }
0xcc: {  	[tilespmem:s16], [sflag:$0x4] =	stream.indirect.gather [hbm4b:s4+s10], $0x40, s28, s10, $0xb8;
	[tilespmem:$0x11300] =	vst v63  }
0xcd: {  	_ =	swait.ge [sflag:s17], $0x3200  }
0xce: {  	[sflag:s17] =	ssyncset.done $0x0  }
0xcf: {  	[sflag:s17] =	ssyncadd.s32 $0xFFFFCE00  }
0xd0: {  	_ =	swait.ge [sflag:s18], $0x3200  }
0xd1: {  	[sflag:s18] =	ssyncset.done $0x0  }
0xd2: {  	s28 =	simm.s32 $0x0;
	[sflag:s18] =	ssyncadd.s32 $0xFFFFCE00  }
0xd3: {  	v6 =	vld [tilespmem:s28+$0x4B00]  }
0xd4: {  	v5 =	vld [tilespmem:s28+$0x4B10]  }
0xd5: {  	v4 =	vld [tilespmem:s28+$0x1900]  }
0xd6: {  	v3 =	vld [tilespmem:s28+$0x1910]  }
0xd7: {  	v2 =	vld [tilespmem:s28+$0x1920]  }
0xd8: {  	v1 =	vld [tilespmem:s28+$0x1930]  }
0xd9: {  	v8 =	vld [tilespmem:s28+$0xE100]  }
0xda: {  	v9 =	vld [tilespmem:s28+$0xE110]  }
0xdb: {  	s29 =	simm.s32 $0x100;
	v7 =	vld [tilespmem:s28+$0xE120]  }
.LBB2_13:
0xdc: {  	p1 =	sne.s32 s29, $0xC700;
	v10 =	vld [tilespmem:s28+$0xE130]  }
0xdd: {  	v11 =	vld [tilespmem:s28+$0x4B20]  }
0xde: {  	s30 =	sshra.s32 s29, $0x2;
	v4 =	vadd.f32 v4, v8;
	v8 =	vld [tilespmem:s28+$0x4B30]  }
0xdf: {  	v12 =	vld [tilespmem:s30+$0x4B00];
	v3 =	vadd.f32 v3, v9  }
0xe0: {  	v9 =	vld [tilespmem:s30+$0x4B10];
	v6 =	vadd.f32 v6, v4;
	v2 =	vadd.f32 v2, v7  }
0xe1: {  	v4 =	vld [tilespmem:s30+$0x1900];
	v5 =	vadd.f32 v5, v3;
	v1 =	vadd.f32 v1, v10  }
0xe2: {  	v3 =	vld [tilespmem:s30+$0x1910];
	[tilespmem:s28+$0xE100] =	vst v6;
	v7 =	vadd.f32 v11, v2  }
.Ltmp7:
0xe3: {  	v2 =	vld [tilespmem:s30+$0x1920];
	[tilespmem:s28+$0xE110] =	vst v5;
	v10 =	vadd.f32 v8, v1;
	(pc) =	sbr.rel @p1 .LBB2_13-.Ltmp7, $4  }
0xe4: {  	v1 =	vld [tilespmem:s30+$0x1930];
	[tilespmem:s28+$0xE120] =	vst v7;
	v6 =	vmov v12  }
0xe5: {  	v8 =	vld [tilespmem:s30+$0xE100];
	[tilespmem:s28+$0xE130] =	vst v10;
	v5 =	vmov v9;
	s28 =	smov.u32 s30  }
0xe6: {  	v9 =	vld [tilespmem:s28+$0xE110]  }
0xe7: {  	s29 =	sadd.s32 $0x100, s29;
	v7 =	vld [tilespmem:s28+$0xE120]  }
0xe8: {  	v10 =	vld [tilespmem:s28+$0xE130]  }
0xe9: {  	v11 =	vld [tilespmem:s28+$0x4B20]  }
0xea: {  	v4 =	vadd.f32 v4, v8;
	v8 =	vld [tilespmem:s28+$0x4B30]  }
0xeb: {  	v3 =	vadd.f32 v3, v9  }
0xec: {  	v4 =	vadd.f32 v6, v4;
	v2 =	vadd.f32 v2, v7  }
0xed: {  	v3 =	vadd.f32 v5, v3;
	v1 =	vadd.f32 v1, v10  }
0xee: {  	[tilespmem:s28+$0xE100] =	vst v4;
	v2 =	vadd.f32 v11, v2  }
0xef: {  	[tilespmem:s28+$0xE110] =	vst v3;
	v1 =	vadd.f32 v8, v1  }
0xf0: {  	[tilespmem:s28+$0xE120] =	vst v2  }
0xf1: {  	[tilespmem:s28+$0xE130] =	vst v1;
	s28 =	sadd.s32 $0x960, s26  }
0xf2: {  	[tilespmem:s11], [sflag:$0x1] =	stream.indirect.gather [hbm4b:s4+s10], $0x40, s28, s10, $0xb8;
	[tilespmem:$0x11300] =	vst v63  }
0xf3: {  	s28 =	sadd.s32 $0xA28, s26  }
0xf4: {  	[tilespmem:s12], [sflag:$0x2] =	stream.indirect.gather [hbm4b:s4+s10], $0x40, s28, s10, $0xb8;
	[tilespmem:$0x11300] =	vst v63  }
0xf5: {  	_ =	swait.ge [sflag:s19], $0x3200  }
0xf6: {  	[sflag:s19] =	ssyncset.done $0x0  }
0xf7: {  	[sflag:s19] =	ssyncadd.s32 $0xFFFFCE00  }
0xf8: {  	_ =	swait.ge [sflag:s20], $0x3200  }
0xf9: {  	[sflag:s20] =	ssyncset.done $0x0  }
0xfa: {  	s28 =	simm.s32 $0x0;
	[sflag:s20] =	ssyncadd.s32 $0xFFFFCE00  }
0xfb: {  	v6 =	vld [tilespmem:s28+$0xAF00]  }
0xfc: {  	v5 =	vld [tilespmem:s28+$0xAF10]  }
0xfd: {  	v4 =	vld [tilespmem:s28+$0x7D00]  }
0xfe: {  	v3 =	vld [tilespmem:s28+$0x7D10]  }
0xff: {  	v2 =	vld [tilespmem:s28+$0x7D20]  }
0x100: {  	v1 =	vld [tilespmem:s28+$0x7D30]  }
0x101: {  	v8 =	vld [tilespmem:s28+$0xE100]  }
0x102: {  	v9 =	vld [tilespmem:s28+$0xE110]  }
0x103: {  	s29 =	simm.s32 $0x100;
	v7 =	vld [tilespmem:s28+$0xE120]  }
.LBB2_15:
0x104: {  	p1 =	sne.s32 s29, $0xC700;
	v10 =	vld [tilespmem:s28+$0xE130]  }
0x105: {  	v11 =	vld [tilespmem:s28+$0xAF20]  }
0x106: {  	s30 =	sshra.s32 s29, $0x2;
	v4 =	vadd.f32 v4, v8;
	v8 =	vld [tilespmem:s28+$0xAF30]  }
0x107: {  	v12 =	vld [tilespmem:s30+$0xAF00];
	v3 =	vadd.f32 v3, v9  }
0x108: {  	v9 =	vld [tilespmem:s30+$0xAF10];
	v6 =	vadd.f32 v6, v4;
	v2 =	vadd.f32 v2, v7  }
0x109: {  	v4 =	vld [tilespmem:s30+$0x7D00];
	v5 =	vadd.f32 v5, v3;
	v1 =	vadd.f32 v1, v10  }
0x10a: {  	v3 =	vld [tilespmem:s30+$0x7D10];
	[tilespmem:s28+$0xE100] =	vst v6;
	v7 =	vadd.f32 v11, v2  }
.Ltmp8:
0x10b: {  	v2 =	vld [tilespmem:s30+$0x7D20];
	[tilespmem:s28+$0xE110] =	vst v5;
	v10 =	vadd.f32 v8, v1;
	(pc) =	sbr.rel @p1 .LBB2_15-.Ltmp8, $4  }
0x10c: {  	v1 =	vld [tilespmem:s30+$0x7D30];
	[tilespmem:s28+$0xE120] =	vst v7;
	v6 =	vmov v12  }
0x10d: {  	v8 =	vld [tilespmem:s30+$0xE100];
	[tilespmem:s28+$0xE130] =	vst v10;
	v5 =	vmov v9;
	s28 =	smov.u32 s30  }
0x10e: {  	v9 =	vld [tilespmem:s28+$0xE110]  }
0x10f: {  	s29 =	sadd.s32 $0x100, s29;
	v7 =	vld [tilespmem:s28+$0xE120]  }
0x110: {  	v10 =	vld [tilespmem:s28+$0xE130]  }
0x111: {  	v11 =	vld [tilespmem:s28+$0xAF20]  }
0x112: {  	v4 =	vadd.f32 v4, v8;
	v8 =	vld [tilespmem:s28+$0xAF30]  }
0x113: {  	v3 =	vadd.f32 v3, v9  }
0x114: {  	v4 =	vadd.f32 v6, v4;
	v2 =	vadd.f32 v2, v7  }
0x115: {  	v3 =	vadd.f32 v5, v3;
	v1 =	vadd.f32 v1, v10  }
0x116: {  	[tilespmem:s28+$0xE100] =	vst v4;
	v2 =	vadd.f32 v11, v2  }
0x117: {  	[tilespmem:s28+$0xE110] =	vst v3;
	v1 =	vadd.f32 v8, v1  }
0x118: {  	[tilespmem:s28+$0xE120] =	vst v2  }
0x119: {  	[tilespmem:s28+$0xE130] =	vst v1;
	s28 =	sadd.s32 $0xAF0, s26  }
0x11a: {  	[tilespmem:s14], [sflag:$0x3] =	stream.indirect.gather [hbm4b:s4+s10], $0x40, s28, s10, $0xb8;
	[tilespmem:$0x11300] =	vst v63  }
0x11b: {  	s31 =	sadd.s32 $0xBB8, s26  }
0x11c: {  	[tilespmem:s16], [sflag:$0x4] =	stream.indirect.gather [hbm4b:s4+s10], $0x40, s31, s10, $0xb8;
	[tilespmem:$0x11300] =	vst v63  }
0x11d: {  	_ =	swait.ge [sflag:s17], $0x3200  }
0x11e: {  	[sflag:s17] =	ssyncset.done $0x0  }
0x11f: {  	[sflag:s17] =	ssyncadd.s32 $0xFFFFCE00  }
0x120: {  	_ =	swait.ge [sflag:s18], $0x3200  }
0x121: {  	[sflag:s18] =	ssyncset.done $0x0  }
0x122: {  	s26 =	simm.s32 $0x0;
	[sflag:s18] =	ssyncadd.s32 $0xFFFFCE00  }
0x123: {  	v6 =	vld [tilespmem:s26+$0x4B00]  }
0x124: {  	v5 =	vld [tilespmem:s26+$0x4B10]  }
0x125: {  	v4 =	vld [tilespmem:s26+$0x1900]  }
0x126: {  	v3 =	vld [tilespmem:s26+$0x1910]  }
0x127: {  	v2 =	vld [tilespmem:s26+$0x1920]  }
0x128: {  	v1 =	vld [tilespmem:s26+$0x1930]  }
0x129: {  	v8 =	vld [tilespmem:s26+$0xE100]  }
0x12a: {  	v9 =	vld [tilespmem:s26+$0xE110]  }
0x12b: {  	s28 =	simm.s32 $0x100;
	v7 =	vld [tilespmem:s26+$0xE120]  }
.LBB2_17:
0x12c: {  	p1 =	sne.s32 s28, $0xC700;
	v10 =	vld [tilespmem:s26+$0xE130]  }
0x12d: {  	v11 =	vld [tilespmem:s26+$0x4B20]  }
0x12e: {  	s29 =	sshra.s32 s28, $0x2;
	v4 =	vadd.f32 v4, v8;
	v8 =	vld [tilespmem:s26+$0x4B30]  }
0x12f: {  	v12 =	vld [tilespmem:s29+$0x4B00];
	v3 =	vadd.f32 v3, v9  }
0x130: {  	v9 =	vld [tilespmem:s29+$0x4B10];
	v6 =	vadd.f32 v6, v4;
	v2 =	vadd.f32 v2, v7  }
0x131: {  	v4 =	vld [tilespmem:s29+$0x1900];
	v5 =	vadd.f32 v5, v3;
	v1 =	vadd.f32 v1, v10  }
0x132: {  	v3 =	vld [tilespmem:s29+$0x1910];
	[tilespmem:s26+$0xE100] =	vst v6;
	v7 =	vadd.f32 v11, v2  }
.Ltmp9:
0x133: {  	v2 =	vld [tilespmem:s29+$0x1920];
	[tilespmem:s26+$0xE110] =	vst v5;
	v10 =	vadd.f32 v8, v1;
	(pc) =	sbr.rel @p1 .LBB2_17-.Ltmp9, $4  }
0x134: {  	v1 =	vld [tilespmem:s29+$0x1930];
	[tilespmem:s26+$0xE120] =	vst v7;
	v6 =	vmov v12  }
0x135: {  	v8 =	vld [tilespmem:s29+$0xE100];
	[tilespmem:s26+$0xE130] =	vst v10;
	v5 =	vmov v9;
	s26 =	smov.u32 s29  }
0x136: {  	v9 =	vld [tilespmem:s26+$0xE110]  }
0x137: {  	s28 =	sadd.s32 $0x100, s28;
	v7 =	vld [tilespmem:s26+$0xE120]  }
0x138: {  	v10 =	vld [tilespmem:s26+$0xE130]  }
0x139: {  	v11 =	vld [tilespmem:s26+$0x4B20]  }
0x13a: {  	v4 =	vadd.f32 v4, v8;
	v8 =	vld [tilespmem:s26+$0x4B30]  }
0x13b: {  	v3 =	vadd.f32 v3, v9  }
0x13c: {  	v4 =	vadd.f32 v6, v4;
	v2 =	vadd.f32 v2, v7  }
0x13d: {  	v3 =	vadd.f32 v5, v3;
	v1 =	vadd.f32 v1, v10  }
0x13e: {  	[tilespmem:s26+$0xE100] =	vst v4;
	v2 =	vadd.f32 v11, v2  }
0x13f: {  	[tilespmem:s26+$0xE110] =	vst v3;
	v1 =	vadd.f32 v8, v1  }
0x140: {  	[tilespmem:s26+$0xE120] =	vst v2  }
0x141: {  	[tilespmem:s26+$0xE130] =	vst v1;
	s26 =	simm.s32 @!p0 $0x5  }
0x142: {  	_ =	swait.ge @!p0 [sflag:s26], $0xC80  }
0x143: {  	[sflag:s26] =	ssyncset.done @!p0 $0x0  }
0x144: {  	s28 =	simm.s32 @!p0 $0x1900;
	[sflag:s26] =	ssyncadd.s32 @!p0 $0xFFFFF380;
	s26 =	simm.s32 @!p0 $0xC8  }
0x145: {  	[tilespmem:s28], [sflag:$0x1] =	stream.indirect.gather @!p0 [hbm4b:s4+s26], $0x40, s25, s26, $0xb8;
	[tilespmem:$0x11300] =	vst v63  }
0x146: {  	s25 =	sadd.s32 @!p0 $0xC8, s25;
	s28 =	simm.s32 @!p0 $0x4B00  }
0x147: {  	[tilespmem:s28], [sflag:$0x2] =	stream.indirect.gather @!p0 [hbm4b:s4+s26], $0x40, s25, s26, $0xb8;
	[tilespmem:$0x11300] =	vst v63  }
0x148: {  	_ =	swait.ge [sflag:s19], $0x3200  }
0x149: {  	[sflag:s19] =	ssyncset.done $0x0  }
0x14a: {  	[sflag:s19] =	ssyncadd.s32 $0xFFFFCE00  }
0x14b: {  	_ =	swait.ge [sflag:s20], $0x3200  }
0x14c: {  	[sflag:s20] =	ssyncset.done $0x0  }
0x14d: {  	s25 =	simm.s32 $0x0;
	[sflag:s20] =	ssyncadd.s32 $0xFFFFCE00  }
0x14e: {  	v6 =	vld [tilespmem:s25+$0xAF00]  }
0x14f: {  	v5 =	vld [tilespmem:s25+$0xAF10]  }
0x150: {  	v4 =	vld [tilespmem:s25+$0x7D00]  }
0x151: {  	v3 =	vld [tilespmem:s25+$0x7D10]  }
0x152: {  	v2 =	vld [tilespmem:s25+$0x7D20]  }
0x153: {  	v1 =	vld [tilespmem:s25+$0x7D30]  }
0x154: {  	v8 =	vld [tilespmem:s25+$0xE100]  }
0x155: {  	v9 =	vld [tilespmem:s25+$0xE110]  }
0x156: {  	s26 =	simm.s32 $0x100;
	v7 =	vld [tilespmem:s25+$0xE120]  }
.LBB2_19:
0x157: {  	p1 =	sne.s32 s26, $0xC700;
	v10 =	vld [tilespmem:s25+$0xE130]  }
0x158: {  	v11 =	vld [tilespmem:s25+$0xAF20]  }
0x159: {  	s28 =	sshra.s32 s26, $0x2;
	v4 =	vadd.f32 v4, v8;
	v8 =	vld [tilespmem:s25+$0xAF30]  }
0x15a: {  	v12 =	vld [tilespmem:s28+$0xAF00];
	v3 =	vadd.f32 v3, v9  }
0x15b: {  	v9 =	vld [tilespmem:s28+$0xAF10];
	v6 =	vadd.f32 v6, v4;
	v2 =	vadd.f32 v2, v7  }
0x15c: {  	v4 =	vld [tilespmem:s28+$0x7D00];
	v5 =	vadd.f32 v5, v3;
	v1 =	vadd.f32 v1, v10  }
0x15d: {  	v3 =	vld [tilespmem:s28+$0x7D10];
	[tilespmem:s25+$0xE100] =	vst v6;
	v7 =	vadd.f32 v11, v2  }
.Ltmp10:
0x15e: {  	v2 =	vld [tilespmem:s28+$0x7D20];
	[tilespmem:s25+$0xE110] =	vst v5;
	v10 =	vadd.f32 v8, v1;
	(pc) =	sbr.rel @p1 .LBB2_19-.Ltmp10, $4  }
0x15f: {  	v1 =	vld [tilespmem:s28+$0x7D30];
	[tilespmem:s25+$0xE120] =	vst v7;
	v6 =	vmov v12  }
0x160: {  	v8 =	vld [tilespmem:s28+$0xE100];
	[tilespmem:s25+$0xE130] =	vst v10;
	v5 =	vmov v9;
	s25 =	smov.u32 s28  }
0x161: {  	v9 =	vld [tilespmem:s25+$0xE110]  }
0x162: {  	s26 =	sadd.s32 $0x100, s26;
	v7 =	vld [tilespmem:s25+$0xE120]  }
0x163: {  	v10 =	vld [tilespmem:s25+$0xE130]  }
0x164: {  	v11 =	vld [tilespmem:s25+$0xAF20]  }
0x165: {  	v63 =	vld [tilespmem:s25+$0xAF30];
	v4 =	vadd.f32 v4, v8  }
0x166: {  	v3 =	vadd.f32 v3, v9  }
0x167: {  	v4 =	vadd.f32 v6, v4;
	v2 =	vadd.f32 v2, v7  }
.Ltmp11:
0x168: {  	v3 =	vadd.f32 v5, v3;
	v1 =	vadd.f32 v1, v10;
	(pc) =	sbr.rel @p0 .LBB2_22-.Ltmp11, $4  }
0x169: {  	[tilespmem:s25+$0xE100] =	vst v4;
	v2 =	vadd.f32 v11, v2  }
0x16a: {  	[tilespmem:s25+$0xE110] =	vst v3;
	v1 =	vadd.f32 v63, v1  }
0x16b: {  	[tilespmem:s25+$0xE120] =	vst v2  }
0x16c: {  	[tilespmem:s25+$0xE130] =	vst v1  }
0x16d: {  	s24 =	sxor.u32 $0x1, s24  }
0x16e: {  	s24 =	smul.u32 $0x3200, s24;
	_ =	sdelay $0x1  }
.Ltmp12:
0x16f: {  	s24 =	sshrl.u32 s24, $0x2;
	(pc) =	sbr.rel .LBB2_4-.Ltmp12, $4  }
0x170: {  	s25 =	sadd.s32 $0x190, s24  }
0x171: {  	[tilespmem:s14], [sflag:$0x3] =	stream.indirect.gather [hbm4b:s4+s10], $0x40, s25, s10, $0xb8;
	[tilespmem:$0x11300] =	vst v63  }
0x172: {  	s23 =	sadd.s32 $0x1, s23;
	s24 =	sadd.s32 $0x258, s24  }
0x173: {  	[tilespmem:s16], [sflag:$0x4] =	stream.indirect.gather [hbm4b:s4+s10], $0x40, s24, s10, $0xb8;
	[tilespmem:$0x11300] =	vst v63  }
.LBB2_23:
0x174: {  	_ =	sfence.sel $0x180000  }
0x175: {  	[bflag:$0x0] =	sbarrier.arrive $0xFFFF  }
0x176: {  	p0 =	sne.s32 s1, $0x0;
	_ =	strace $0x90000047  }
0x177: {  	s0 =	sadd.s32 @!p0 $0x100000, s0;
	[bflag:$0x2] =	sbarrier.arrive $0xFFFF  }
0x178: {  	[sflag:s0] =	ssyncadd.tile.s32 @!p0 $0x1;
	_ =	shalt  }
.Lfunc_end2:
_tile_overlayer_lowered:
.L_overlay_start_2:
0x179: {  	(tag) =	ssettag $0x2  }
0x17a: {  	s0 =	rddreg [dreg:$0x0];
	s2 =	stileid.u32  }
0x17b: {  	s1 =	rddreg [dreg:$0x1];
	p0 =	sne.s32 s2, $0x0  }
0x17c: {  	s3 =	rddreg [dreg:$0x2];
	[bflag:$0x3] =	sbarrier.arrive $0xFFFF;
	s2 =	simm.s32 @!p0 $0x1C06  }
0x17d: {  	[timem:s3], [sflag:s2] =	dma.local @!p0 [hbm:s0], s1  }
0x17e: {  	s0 =	simm.s32 @!p0 $0x6  }
0x17f: {  	_ =	swait.ge @!p0 [sflag:s0], s1  }
0x180: {  	s1 =	ssub.s32 @!p0 $0x0, s1;
	[sflag:s0] =	ssyncset.done @!p0 $0x0  }
0x181: {  	[sflag:s0] =	ssyncadd.s32 @!p0 s1  }
0x182: {  	[bflag:$0x3] =	sbarrier.arrive $0xFFFF  }
0x183: {  	_ =	shalt  }

</sc_bundles>
